<compile_context>
chip_gen: v7x
topology: tpu7x:2x2x1
jax: 0.10.2.dev20260603
libtpu: 0.0.44.dev20260713+nightly
codegen_flags: <defaults>
</compile_context>

<pallas_src>
import functools

import jax
import jax.numpy as jnp
from jax.experimental import pallas as pl
from jax.experimental.pallas import tpu as pltpu

_B, _NQ, _NS, _D = 16, 512, 2048, 64
_K = 128


def _maxes_kernel(q_ref, d_ref, n_ref, rmd_ref, rmn_ref, cmd_ref, cmn_ref):
    qb = q_ref[0]

    def maxes(db, rm_ref, cm_ref):
        s = jax.lax.dot_general(
            db, qb, (((1,), (1,)), ((), ())),
            preferred_element_type=jnp.float32)
        rm_ref[0] = jnp.max(s, axis=0, keepdims=True)
        s2 = jax.lax.dot_general(
            qb, db, (((1,), (1,)), ((), ())),
            preferred_element_type=jnp.float32)
        cm_ref[0] = jnp.max(s2, axis=0, keepdims=True)

    maxes(d_ref[0], rmd_ref, cmd_ref)
    maxes(n_ref[0], rmn_ref, cmn_ref)


def _count16(ref, cand_i32):
    cand = cand_i32.astype(jnp.int16)
    x = (ref[...] >= cand).astype(jnp.int16)
    r = x.shape[0]
    while r > 1:
        h = r // 2
        x = x[:h] + x[h:]
        r = h
    return jnp.sum(x.astype(jnp.int32))


def _bisect16_pair(ref_a, ref_b, need_a, need_b):
    ta = jnp.where(_count16(ref_a, jnp.int32(0)) >= need_a,
                   jnp.int32(0), jnp.int32(-32768))
    tb = jnp.where(_count16(ref_b, jnp.int32(0)) >= need_b,
                   jnp.int32(0), jnp.int32(-32768))

    def body(i, ts):
        ta, tb = ts
        bit = jax.lax.shift_left(jnp.int32(1), jnp.int32(14) - i)
        ca = ta | bit
        cb = tb | bit
        ta = jnp.where(_count16(ref_a, ca) >= need_a, ca, ta)
        tb = jnp.where(_count16(ref_b, cb) >= need_b, cb, tb)
        return ta, tb

    return jax.lax.fori_loop(0, 15, body, (ta, tb))


def _side_keys(qc, dc, hi_ref, lo_ref):
    s = jax.lax.dot_general(
        qc, dc, (((1,), (1,)), ((), ())),
        preferred_element_type=jnp.float32)

    bits = jax.lax.bitcast_convert_type(s, jnp.int32)
    keys = jnp.where(bits < 0, bits ^ jnp.int32(0x7FFFFFFF), bits)
    hi_ref[...] = jax.lax.shift_right_arithmetic(keys, 16).astype(jnp.int16)
    lo_ref[...] = ((keys & jnp.int32(0xFFFF)) ^ jnp.int32(0x8000)).astype(
        jnp.int16)


def _qual_score(rv, tkey):
    rbits = jax.lax.bitcast_convert_type(rv, jnp.int32)
    rkeys = jnp.where(rbits < 0, rbits ^ jnp.int32(0x7FFFFFFF), rbits)
    qual = (rkeys >= tkey).astype(jnp.float32)
    z = jnp.maximum(jnp.sum(qual), 0.001)
    numer = jnp.sum(qual * jnp.maximum(rv, 0.0))
    return numer / z


def _score_kernel(qcd_ref, qcn_ref, dcd_ref, dcn_ref, rvd_ref, rvn_ref,
                  out_ref, hip_ref, lop_ref, hin_ref, lon_ref):
    _side_keys(qcd_ref[0], dcd_ref[0], hip_ref, lop_ref)
    _side_keys(qcn_ref[0], dcn_ref[0], hin_ref, lon_ref)

    kk = jnp.int32(_K)
    hp, hn = _bisect16_pair(hip_ref, hin_ref, kk, kk)
    need_p = kk - _count16(hip_ref, hp + 1)
    need_n = kk - _count16(hin_ref, hn + 1)

    lop_ref[...] = jnp.where(hip_ref[...] == hp.astype(jnp.int16),
                             lop_ref[...], jnp.int16(-32768))
    lon_ref[...] = jnp.where(hin_ref[...] == hn.astype(jnp.int16),
                             lon_ref[...], jnp.int16(-32768))
    lp, ln = _bisect16_pair(lop_ref, lon_ref, need_p, need_n)

    tkey_p = jax.lax.shift_left(hp, 16) | ((lp ^ jnp.int32(0x8000))
                                           & jnp.int32(0xFFFF))
    tkey_n = jax.lax.shift_left(hn, 16) | ((ln ^ jnp.int32(0x8000))
                                           & jnp.int32(0xFFFF))

    pos = _qual_score(rvd_ref[0], tkey_p)
    neg = _qual_score(rvn_ref[0], tkey_n)
    diff = neg - pos
    sp = jnp.maximum(diff, 0.0) + jnp.log1p(jnp.exp(-jnp.abs(diff)))

    @pl.when(pl.program_id(0) == 0)
    def _():
        out_ref[...] = jnp.zeros((8, 128), jnp.float32)

    out_ref[...] += sp / _B


@functools.partial(jax.jit)
def kernel(query_embeddings, doc_embeddings, neg_doc_embeddings):
    rmd, rmn, cmd, cmn = pl.pallas_call(
        _maxes_kernel,
        grid=(_B,),
        in_specs=[
            pl.BlockSpec((1, _NQ, _D), lambda i: (i, 0, 0)),
            pl.BlockSpec((1, _NS, _D), lambda i: (i, 0, 0)),
            pl.BlockSpec((1, _NS, _D), lambda i: (i, 0, 0)),
        ],
        out_specs=[
            pl.BlockSpec((1, 1, _NQ), lambda i: (i, 0, 0)),
            pl.BlockSpec((1, 1, _NQ), lambda i: (i, 0, 0)),
            pl.BlockSpec((1, 1, _NS), lambda i: (i, 0, 0)),
            pl.BlockSpec((1, 1, _NS), lambda i: (i, 0, 0)),
        ],
        out_shape=[
            jax.ShapeDtypeStruct((_B, 1, _NQ), jnp.float32),
            jax.ShapeDtypeStruct((_B, 1, _NQ), jnp.float32),
            jax.ShapeDtypeStruct((_B, 1, _NS), jnp.float32),
            jax.ShapeDtypeStruct((_B, 1, _NS), jnp.float32),
        ],
    )(query_embeddings, doc_embeddings, neg_doc_embeddings)

    rvd, idxd = jax.lax.top_k(rmd[:, 0, :], _K)
    rvn, idxn = jax.lax.top_k(rmn[:, 0, :], _K)
    _, cidxd = jax.lax.top_k(cmd[:, 0, :], _K)
    _, cidxn = jax.lax.top_k(cmn[:, 0, :], _K)
    qcd = jnp.take_along_axis(query_embeddings, idxd[:, :, None], axis=1)
    qcn = jnp.take_along_axis(query_embeddings, idxn[:, :, None], axis=1)
    dcd = jnp.take_along_axis(doc_embeddings, cidxd[:, :, None], axis=1)
    dcn = jnp.take_along_axis(neg_doc_embeddings, cidxn[:, :, None], axis=1)

    loss = pl.pallas_call(
        _score_kernel,
        grid=(_B,),
        in_specs=[
            pl.BlockSpec((1, _K, _D), lambda i: (i, 0, 0)),
            pl.BlockSpec((1, _K, _D), lambda i: (i, 0, 0)),
            pl.BlockSpec((1, _K, _D), lambda i: (i, 0, 0)),
            pl.BlockSpec((1, _K, _D), lambda i: (i, 0, 0)),
            pl.BlockSpec((1, 1, _K), lambda i: (i, 0, 0)),
            pl.BlockSpec((1, 1, _K), lambda i: (i, 0, 0)),
        ],
        out_specs=pl.BlockSpec((8, 128), lambda i: (0, 0)),
        out_shape=jax.ShapeDtypeStruct((8, 128), jnp.float32),
        scratch_shapes=[pltpu.VMEM((_K, _K), jnp.int16),
                        pltpu.VMEM((_K, _K), jnp.int16),
                        pltpu.VMEM((_K, _K), jnp.int16),
                        pltpu.VMEM((_K, _K), jnp.int16)],
    )(qcd, qcn, dcd, dcn, rvd[:, None, :], rvn[:, None, :])
    return loss[0, 0]

# --- scband reference (transcript-rebuilt; emitter-appended) ---
"""Pipeline reference for scband-xtr-pairwise-celoss-73650099192571 (READ-ONLY COPY).

The authoritative reference and input builder live on the scoring server;
editing this copy changes nothing except your own understanding.
"""

import jax, jax.numpy as jnp
import numpy as np

TOP_K = 128


def generate_top_k_mask(tensor, k):
    b, n, s = tensor.shape
    flat = tensor.reshape(b, n * s)
    _, topk_indices = jax.lax.top_k(flat, k)
    batch_indices = jnp.arange(b)[:, None]
    mask_flat = jnp.zeros((b, n * s), dtype=bool).at[batch_indices, topk_indices].set(True)
    return mask_flat.reshape(b, n, s)


def _score(query_embeddings, doc_embeddings):
    pairwise_scores = jnp.einsum('bnd,bsd->bns', query_embeddings, doc_embeddings)
    topk_masks = generate_top_k_mask(pairwise_scores, TOP_K)
    aligned = pairwise_scores * topk_masks
    Z = jnp.maximum(jnp.sum(jnp.max(topk_masks.astype(jnp.float32), axis=-1), axis=-1), 0.001)
    doc_tok_summed_normalized = jnp.sum(jnp.max(aligned, axis=-1), axis=-1) / Z
    return doc_tok_summed_normalized


def setup_inputs(seed: int = 0) -> dict:
    key = jax.random.key(seed)
    k1, k2, k3 = jax.random.split(key, 3)
    B, NQ, NS, D = 16, 512, 2048, 64
    return {
        'query_embeddings': jax.random.normal(k1, (B, NQ, D), dtype=jnp.float32),
        'doc_embeddings': jax.random.normal(k2, (B, NS, D), dtype=jnp.float32),
        'neg_doc_embeddings': jax.random.normal(k3, (B, NS, D), dtype=jnp.float32),
    }


def reference(query_embeddings, doc_embeddings, neg_doc_embeddings):
    pos_scores = _score(query_embeddings, doc_embeddings)
    neg_scores = _score(query_embeddings, neg_doc_embeddings)
    loss = jnp.mean(jax.nn.softplus(neg_scores - pos_scores))
    return loss

if __name__ == "__main__":
    import jax
    _d = setup_inputs()
    print(jax.jit(kernel)(*tuple(_d.values())))

</pallas_src>

<mosaic_0001>
module attributes {stable_mosaic.version = 14 : i64} {
  func.func @_maxes_kernel(%arg0: i32, %arg1: memref<1x512x64xf32, #tpu.memory_space<vmem>>, %arg2: memref<1x2048x64xf32, #tpu.memory_space<vmem>>, %arg3: memref<1x2048x64xf32, #tpu.memory_space<vmem>>, %arg4: memref<1x1x512xf32, #tpu.memory_space<vmem>>, %arg5: memref<1x1x512xf32, #tpu.memory_space<vmem>>, %arg6: memref<1x1x2048xf32, #tpu.memory_space<vmem>>, %arg7: memref<1x1x2048xf32, #tpu.memory_space<vmem>>) attributes {dimension_semantics = [#tpu.dimension_semantics<arbitrary>], iteration_bounds = array<i64: 16>, scalar_prefetch = 0 : i64, scratch_operands = 0 : i64, tpu.core_type = #tpu.core_type<tc>, window_params = [{transform_indices = @transform_0, window_bounds = array<i64: 1, 512, 64>}, {transform_indices = @transform_1, window_bounds = array<i64: 1, 2048, 64>}, {transform_indices = @transform_2, window_bounds = array<i64: 1, 2048, 64>}, {transform_indices = @transform_3, window_bounds = array<i64: 1, 1, 512>}, {transform_indices = @transform_4, window_bounds = array<i64: 1, 1, 512>}, {transform_indices = @transform_5, window_bounds = array<i64: 1, 1, 2048>}, {transform_indices = @transform_6, window_bounds = array<i64: 1, 1, 2048>}]} {
    %get3A = arith.constant 0 : index
    %get3A_0 = arith.constant 0 : index
    %get3A_1 = arith.constant 0 : index
    %get3A_2 = vector.load %arg1[%get3A, %get3A_0, %get3A_1] : memref<1x512x64xf32, #tpu.memory_space<vmem>>, vector<1x512x64xf32>
    %get3A_3 = vector.shape_cast %get3A_2 : vector<1x512x64xf32> to vector<512x64xf32>
    %get3A_4 = arith.constant 0 : index
    %get3A_5 = arith.constant 0 : index
    %get3A_6 = arith.constant 0 : index
    %get3A_7 = vector.load %arg2[%get3A_4, %get3A_5, %get3A_6] : memref<1x2048x64xf32, #tpu.memory_space<vmem>>, vector<1x2048x64xf32>
    %get3A_8 = vector.shape_cast %get3A_7 : vector<1x2048x64xf32> to vector<2048x64xf32>
    %dot_general3A = arith.constant dense<0.000000e+00> : vector<2048x512xf32>
    %dot_general3A_9 = tpu.matmul %get3A_8, %get3A_3, %dot_general3A {dimension_numbers = #tpu.dot_dimension_numbers<[1], [1], [0], [0], [0, 0, 1, 0], [], []>, transpose_lhs_hint = false} : vector<2048x64xf32>, vector<512x64xf32>, vector<2048x512xf32> -> vector<2048x512xf32>
    %reduce_max3A = arith.constant dense<0xFF800000> : vector<512xf32>
    %reduce_max3A_10 = vector.multi_reduction <maximumf>, %dot_general3A_9, %reduce_max3A [0] : vector<2048x512xf32> to vector<512xf32>
    %broadcast_in_dim3A = vector.shape_cast %reduce_max3A_10 : vector<512xf32> to vector<1x512xf32>
    %swap3A = arith.constant 0 : index
    %swap3A_11 = arith.constant 0 : index
    %swap3A_12 = arith.constant 0 : index
    %swap3A_13 = vector.load %arg4[%swap3A, %swap3A_11, %swap3A_12] : memref<1x1x512xf32, #tpu.memory_space<vmem>>, vector<1x1x512xf32>
    %swap3A_14 = vector.shape_cast %swap3A_13 : vector<1x1x512xf32> to vector<1x512xf32>
    %swap3A_15 = vector.shape_cast %broadcast_in_dim3A : vector<1x512xf32> to vector<1x1x512xf32>
    tpu.vector_store %arg4[%swap3A, %swap3A_11, %swap3A_12], %swap3A_15 {strides = array<i32>} : memref<1x1x512xf32, #tpu.memory_space<vmem>>, vector<1x1x512xf32>,
    %dot_general3A_16 = arith.constant dense<0.000000e+00> : vector<512x2048xf32>
    %dot_general3A_17 = tpu.matmul %get3A_3, %get3A_8, %dot_general3A_16 {dimension_numbers = #tpu.dot_dimension_numbers<[1], [1], [0], [0], [0, 0, 1, 0], [], []>, transpose_lhs_hint = false} : vector<512x64xf32>, vector<2048x64xf32>, vector<512x2048xf32> -> vector<512x2048xf32>
    %reduce_max3A_18 = arith.constant dense<0xFF800000> : vector<2048xf32>
    %reduce_max3A_19 = vector.multi_reduction <maximumf>, %dot_general3A_17, %reduce_max3A_18 [0] : vector<512x2048xf32> to vector<2048xf32>
    %broadcast_in_dim3A_20 = vector.shape_cast %reduce_max3A_19 : vector<2048xf32> to vector<1x2048xf32>
    %swap3A_21 = arith.constant 0 : index
    %swap3A_22 = arith.constant 0 : index
    %swap3A_23 = arith.constant 0 : index
    %swap3A_24 = vector.load %arg6[%swap3A_21, %swap3A_22, %swap3A_23] : memref<1x1x2048xf32, #tpu.memory_space<vmem>>, vector<1x1x2048xf32>
    %swap3A_25 = vector.shape_cast %swap3A_24 : vector<1x1x2048xf32> to vector<1x2048xf32>
    %swap3A_26 = vector.shape_cast %broadcast_in_dim3A_20 : vector<1x2048xf32> to vector<1x1x2048xf32>
    tpu.vector_store %arg6[%swap3A_21, %swap3A_22, %swap3A_23], %swap3A_26 {strides = array<i32>} : memref<1x1x2048xf32, #tpu.memory_space<vmem>>, vector<1x1x2048xf32>,
    %get3A_27 = arith.constant 0 : index
    %get3A_28 = arith.constant 0 : index
    %get3A_29 = arith.constant 0 : index
    %get3A_30 = vector.load %arg3[%get3A_27, %get3A_28, %get3A_29] : memref<1x2048x64xf32, #tpu.memory_space<vmem>>, vector<1x2048x64xf32>
    %get3A_31 = vector.shape_cast %get3A_30 : vector<1x2048x64xf32> to vector<2048x64xf32>
    %dot_general3A_32 = arith.constant dense<0.000000e+00> : vector<2048x512xf32>
    %dot_general3A_33 = tpu.matmul %get3A_31, %get3A_3, %dot_general3A_32 {dimension_numbers = #tpu.dot_dimension_numbers<[1], [1], [0], [0], [0, 0, 1, 0], [], []>, transpose_lhs_hint = false} : vector<2048x64xf32>, vector<512x64xf32>, vector<2048x512xf32> -> vector<2048x512xf32>
    %reduce_max3A_34 = arith.constant dense<0xFF800000> : vector<512xf32>
    %reduce_max3A_35 = vector.multi_reduction <maximumf>, %dot_general3A_33, %reduce_max3A_34 [0] : vector<2048x512xf32> to vector<512xf32>
    %broadcast_in_dim3A_36 = vector.shape_cast %reduce_max3A_35 : vector<512xf32> to vector<1x512xf32>
    %swap3A_37 = arith.constant 0 : index
    %swap3A_38 = arith.constant 0 : index
    %swap3A_39 = arith.constant 0 : index
    %swap3A_40 = vector.load %arg5[%swap3A_37, %swap3A_38, %swap3A_39] : memref<1x1x512xf32, #tpu.memory_space<vmem>>, vector<1x1x512xf32>
    %swap3A_41 = vector.shape_cast %swap3A_40 : vector<1x1x512xf32> to vector<1x512xf32>
    %swap3A_42 = vector.shape_cast %broadcast_in_dim3A_36 : vector<1x512xf32> to vector<1x1x512xf32>
    tpu.vector_store %arg5[%swap3A_37, %swap3A_38, %swap3A_39], %swap3A_42 {strides = array<i32>} : memref<1x1x512xf32, #tpu.memory_space<vmem>>, vector<1x1x512xf32>,
    %dot_general3A_43 = arith.constant dense<0.000000e+00> : vector<512x2048xf32>
    %dot_general3A_44 = tpu.matmul %get3A_3, %get3A_31, %dot_general3A_43 {dimension_numbers = #tpu.dot_dimension_numbers<[1], [1], [0], [0], [0, 0, 1, 0], [], []>, transpose_lhs_hint = false} : vector<512x64xf32>, vector<2048x64xf32>, vector<512x2048xf32> -> vector<512x2048xf32>
    %reduce_max3A_45 = arith.constant dense<0xFF800000> : vector<2048xf32>
    %reduce_max3A_46 = vector.multi_reduction <maximumf>, %dot_general3A_44, %reduce_max3A_45 [0] : vector<512x2048xf32> to vector<2048xf32>
    %broadcast_in_dim3A_47 = vector.shape_cast %reduce_max3A_46 : vector<2048xf32> to vector<1x2048xf32>
    %swap3A_48 = arith.constant 0 : index
    %swap3A_49 = arith.constant 0 : index
    %swap3A_50 = arith.constant 0 : index
    %swap3A_51 = vector.load %arg7[%swap3A_48, %swap3A_49, %swap3A_50] : memref<1x1x2048xf32, #tpu.memory_space<vmem>>, vector<1x1x2048xf32>
    %swap3A_52 = vector.shape_cast %swap3A_51 : vector<1x1x2048xf32> to vector<1x2048xf32>
    %swap3A_53 = vector.shape_cast %broadcast_in_dim3A_47 : vector<1x2048xf32> to vector<1x1x2048xf32>
    tpu.vector_store %arg7[%swap3A_48, %swap3A_49, %swap3A_50], %swap3A_53 {strides = array<i32>} : memref<1x1x2048xf32, #tpu.memory_space<vmem>>, vector<1x1x2048xf32>,
    return
  }
  func.func @transform_0(%arg0: i32) -> (i32, i32, i32) {
    %c0_i32 = arith.constant 0 : i32
    %c0_i32_0 = arith.constant 0 : i32
    %c0_i32_1 = arith.constant 0 : i32
    return %arg0, %c0_i32, %c0_i32_0 : i32, i32, i32
  }
  func.func @transform_1(%arg0: i32) -> (i32, i32, i32) {
    %c0_i32 = arith.constant 0 : i32
    %c0_i32_0 = arith.constant 0 : i32
    %c0_i32_1 = arith.constant 0 : i32
    return %arg0, %c0_i32, %c0_i32_0 : i32, i32, i32
  }
  func.func @transform_2(%arg0: i32) -> (i32, i32, i32) {
    %c0_i32 = arith.constant 0 : i32
    %c0_i32_0 = arith.constant 0 : i32
    %c0_i32_1 = arith.constant 0 : i32
    return %arg0, %c0_i32, %c0_i32_0 : i32, i32, i32
  }
  func.func @transform_3(%arg0: i32) -> (i32, i32, i32) {
    %c0_i32 = arith.constant 0 : i32
    %c0_i32_0 = arith.constant 0 : i32
    %c0_i32_1 = arith.constant 0 : i32
    return %arg0, %c0_i32, %c0_i32_0 : i32, i32, i32
  }
  func.func @transform_4(%arg0: i32) -> (i32, i32, i32) {
    %c0_i32 = arith.constant 0 : i32
    %c0_i32_0 = arith.constant 0 : i32
    %c0_i32_1 = arith.constant 0 : i32
    return %arg0, %c0_i32, %c0_i32_0 : i32, i32, i32
  }
  func.func @transform_5(%arg0: i32) -> (i32, i32, i32) {
    %c0_i32 = arith.constant 0 : i32
    %c0_i32_0 = arith.constant 0 : i32
    %c0_i32_1 = arith.constant 0 : i32
    return %arg0, %c0_i32, %c0_i32_0 : i32, i32, i32
  }
  func.func @transform_6(%arg0: i32) -> (i32, i32, i32) {
    %c0_i32 = arith.constant 0 : i32
    %c0_i32_0 = arith.constant 0 : i32
    %c0_i32_1 = arith.constant 0 : i32
    return %arg0, %c0_i32, %c0_i32_0 : i32, i32, i32
  }
}

module attributes {stable_mosaic.version = 14 : i64} {
  func.func @_score_kernel(%arg0: i32, %arg1: memref<1x128x64xf32, #tpu.memory_space<vmem>>, %arg2: memref<1x128x64xf32, #tpu.memory_space<vmem>>, %arg3: memref<1x128x64xf32, #tpu.memory_space<vmem>>, %arg4: memref<1x128x64xf32, #tpu.memory_space<vmem>>, %arg5: memref<1x1x128xf32, #tpu.memory_space<vmem>>, %arg6: memref<1x1x128xf32, #tpu.memory_space<vmem>>, %arg7: memref<8x128xf32, #tpu.memory_space<vmem>>, %arg8: memref<128x128xi16, #tpu.memory_space<vmem>>, %arg9: memref<128x128xi16, #tpu.memory_space<vmem>>, %arg10: memref<128x128xi16, #tpu.memory_space<vmem>>, %arg11: memref<128x128xi16, #tpu.memory_space<vmem>>) attributes {dimension_semantics = [#tpu.dimension_semantics<arbitrary>], iteration_bounds = array<i64: 16>, scalar_prefetch = 0 : i64, scratch_operands = 4 : i64, tpu.core_type = #tpu.core_type<tc>, window_params = [{transform_indices = @transform_0, window_bounds = array<i64: 1, 128, 64>}, {transform_indices = @transform_1, window_bounds = array<i64: 1, 128, 64>}, {transform_indices = @transform_2, window_bounds = array<i64: 1, 128, 64>}, {transform_indices = @transform_3, window_bounds = array<i64: 1, 128, 64>}, {transform_indices = @transform_4, window_bounds = array<i64: 1, 1, 128>}, {transform_indices = @transform_5, window_bounds = array<i64: 1, 1, 128>}, {pipeline_mode = #tpu.pipeline_mode<synchronous>, transform_indices = @transform_6, window_bounds = array<i64: 8, 128>}]} {
    %get3A = arith.constant 0 : index
    %get3A_0 = arith.constant 0 : index
    %get3A_1 = arith.constant 0 : index
    %get3A_2 = vector.load %arg1[%get3A, %get3A_0, %get3A_1] : memref<1x128x64xf32, #tpu.memory_space<vmem>>, vector<1x128x64xf32>
    %get3A_3 = vector.shape_cast %get3A_2 : vector<1x128x64xf32> to vector<128x64xf32>
    %get3A_4 = arith.constant 0 : index
    %get3A_5 = arith.constant 0 : index
    %get3A_6 = arith.constant 0 : index
    %get3A_7 = vector.load %arg3[%get3A_4, %get3A_5, %get3A_6] : memref<1x128x64xf32, #tpu.memory_space<vmem>>, vector<1x128x64xf32>
    %get3A_8 = vector.shape_cast %get3A_7 : vector<1x128x64xf32> to vector<128x64xf32>
    %dot_general3A = arith.constant dense<0.000000e+00> : vector<128x128xf32>
    %dot_general3A_9 = tpu.matmul %get3A_3, %get3A_8, %dot_general3A {dimension_numbers = #tpu.dot_dimension_numbers<[1], [1], [0], [0], [0, 0, 1, 0], [], []>, transpose_lhs_hint = false} : vector<128x64xf32>, vector<128x64xf32>, vector<128x128xf32> -> vector<128x128xf32>
    %bitcast_convert_type3A = tpu.bitcast %dot_general3A_9 : vector<128x128xf32> -> vector<128x128xi32>
    %lt3A = arith.constant 0 : i32
    %lt3A_10 = vector.broadcast %lt3A : i32 to vector<128x128xi32>
    %lt3A_11 = arith.cmpi slt, %bitcast_convert_type3A, %lt3A_10 : vector<128x128xi32>
    %xor3A = arith.constant 2147483647 : i32
    %xor3A_12 = vector.broadcast %xor3A : i32 to vector<128x128xi32>
    %xor3A_13 = arith.xori %bitcast_convert_type3A, %xor3A_12 : vector<128x128xi32>
    %select_n3A = arith.select %lt3A_11, %xor3A_13, %bitcast_convert_type3A : vector<128x128xi1>, vector<128x128xi32>
    %shift_right_arithmetic3A = arith.constant 16 : i32
    %shift_right_arithmetic3A_14 = vector.broadcast %shift_right_arithmetic3A : i32 to vector<128x128xi32>
    %shift_right_arithmetic3A_15 = arith.shrsi %select_n3A, %shift_right_arithmetic3A_14 : vector<128x128xi32>
    %convert_element_type3A = arith.trunci %shift_right_arithmetic3A_15 : vector<128x128xi32> to vector<128x128xi16>
    %swap3A = arith.constant 0 : index
    %swap3A_16 = arith.constant 0 : index
    %swap3A_17 = vector.load %arg8[%swap3A, %swap3A_16] : memref<128x128xi16, #tpu.memory_space<vmem>>, vector<128x128xi16>
    tpu.vector_store %arg8[%swap3A, %swap3A_16], %convert_element_type3A {strides = array<i32>} : memref<128x128xi16, #tpu.memory_space<vmem>>, vector<128x128xi16>,
    %and3A = arith.constant 65535 : i32
    %and3A_18 = vector.broadcast %and3A : i32 to vector<128x128xi32>
    %and3A_19 = arith.andi %select_n3A, %and3A_18 : vector<128x128xi32>
    %xor3A_20 = arith.constant 32768 : i32
    %xor3A_21 = vector.broadcast %xor3A_20 : i32 to vector<128x128xi32>
    %xor3A_22 = arith.xori %and3A_19, %xor3A_21 : vector<128x128xi32>
    %convert_element_type3A_23 = arith.trunci %xor3A_22 : vector<128x128xi32> to vector<128x128xi16>
    %swap3A_24 = arith.constant 0 : index
    %swap3A_25 = arith.constant 0 : index
    %swap3A_26 = vector.load %arg9[%swap3A_24, %swap3A_25] : memref<128x128xi16, #tpu.memory_space<vmem>>, vector<128x128xi16>
    tpu.vector_store %arg9[%swap3A_24, %swap3A_25], %convert_element_type3A_23 {strides = array<i32>} : memref<128x128xi16, #tpu.memory_space<vmem>>, vector<128x128xi16>,
    %get3A_27 = arith.constant 0 : index
    %get3A_28 = arith.constant 0 : index
    %get3A_29 = arith.constant 0 : index
    %get3A_30 = vector.load %arg2[%get3A_27, %get3A_28, %get3A_29] : memref<1x128x64xf32, #tpu.memory_space<vmem>>, vector<1x128x64xf32>
    %get3A_31 = vector.shape_cast %get3A_30 : vector<1x128x64xf32> to vector<128x64xf32>
    %get3A_32 = arith.constant 0 : index
    %get3A_33 = arith.constant 0 : index
    %get3A_34 = arith.constant 0 : index
    %get3A_35 = vector.load %arg4[%get3A_32, %get3A_33, %get3A_34] : memref<1x128x64xf32, #tpu.memory_space<vmem>>, vector<1x128x64xf32>
    %get3A_36 = vector.shape_cast %get3A_35 : vector<1x128x64xf32> to vector<128x64xf32>
    %dot_general3A_37 = arith.constant dense<0.000000e+00> : vector<128x128xf32>
    %dot_general3A_38 = tpu.matmul %get3A_31, %get3A_36, %dot_general3A_37 {dimension_numbers = #tpu.dot_dimension_numbers<[1], [1], [0], [0], [0, 0, 1, 0], [], []>, transpose_lhs_hint = false} : vector<128x64xf32>, vector<128x64xf32>, vector<128x128xf32> -> vector<128x128xf32>
    %bitcast_convert_type3A_39 = tpu.bitcast %dot_general3A_38 : vector<128x128xf32> -> vector<128x128xi32>
    %lt3A_40 = arith.constant 0 : i32
    %lt3A_41 = vector.broadcast %lt3A_40 : i32 to vector<128x128xi32>
    %lt3A_42 = arith.cmpi slt, %bitcast_convert_type3A_39, %lt3A_41 : vector<128x128xi32>
    %xor3A_43 = arith.constant 2147483647 : i32
    %xor3A_44 = vector.broadcast %xor3A_43 : i32 to vector<128x128xi32>
    %xor3A_45 = arith.xori %bitcast_convert_type3A_39, %xor3A_44 : vector<128x128xi32>
    %select_n3A_46 = arith.select %lt3A_42, %xor3A_45, %bitcast_convert_type3A_39 : vector<128x128xi1>, vector<128x128xi32>
    %shift_right_arithmetic3A_47 = arith.constant 16 : i32
    %shift_right_arithmetic3A_48 = vector.broadcast %shift_right_arithmetic3A_47 : i32 to vector<128x128xi32>
    %shift_right_arithmetic3A_49 = arith.shrsi %select_n3A_46, %shift_right_arithmetic3A_48 : vector<128x128xi32>
    %convert_element_type3A_50 = arith.trunci %shift_right_arithmetic3A_49 : vector<128x128xi32> to vector<128x128xi16>
    %swap3A_51 = arith.constant 0 : index
    %swap3A_52 = arith.constant 0 : index
    %swap3A_53 = vector.load %arg10[%swap3A_51, %swap3A_52] : memref<128x128xi16, #tpu.memory_space<vmem>>, vector<128x128xi16>
    tpu.vector_store %arg10[%swap3A_51, %swap3A_52], %convert_element_type3A_50 {strides = array<i32>} : memref<128x128xi16, #tpu.memory_space<vmem>>, vector<128x128xi16>,
    %and3A_54 = arith.constant 65535 : i32
    %and3A_55 = vector.broadcast %and3A_54 : i32 to vector<128x128xi32>
    %and3A_56 = arith.andi %select_n3A_46, %and3A_55 : vector<128x128xi32>
    %xor3A_57 = arith.constant 32768 : i32
    %xor3A_58 = vector.broadcast %xor3A_57 : i32 to vector<128x128xi32>
    %xor3A_59 = arith.xori %and3A_56, %xor3A_58 : vector<128x128xi32>
    %convert_element_type3A_60 = arith.trunci %xor3A_59 : vector<128x128xi32> to vector<128x128xi16>
    %swap3A_61 = arith.constant 0 : index
    %swap3A_62 = arith.constant 0 : index
    %swap3A_63 = vector.load %arg11[%swap3A_61, %swap3A_62] : memref<128x128xi16, #tpu.memory_space<vmem>>, vector<128x128xi16>
    tpu.vector_store %arg11[%swap3A_61, %swap3A_62], %convert_element_type3A_60 {strides = array<i32>} : memref<128x128xi16, #tpu.memory_space<vmem>>, vector<128x128xi16>,
    %get3A_64 = arith.constant 0 : index
    %get3A_65 = arith.constant 0 : index
    %get3A_66 = vector.load %arg8[%get3A_64, %get3A_65] : memref<128x128xi16, #tpu.memory_space<vmem>>, vector<128x128xi16>
    %ge3A = arith.constant 0 : i16
    %ge3A_67 = vector.broadcast %ge3A : i16 to vector<128x128xi16>
    %ge3A_68 = arith.cmpi sge, %get3A_66, %ge3A_67 : vector<128x128xi16>
    %convert_element_type3A_69 = arith.extui %ge3A_68 : vector<128x128xi1> to vector<128x128xi16>
    %slice3A = vector.extract_strided_slice %convert_element_type3A_69 {offsets = [0, 0], sizes = [64, 128], strides = [1, 1]} : vector<128x128xi16> to vector<64x128xi16>
    %slice3A_70 = vector.extract_strided_slice %convert_element_type3A_69 {offsets = [64, 0], sizes = [64, 128], strides = [1, 1]} : vector<128x128xi16> to vector<64x128xi16>
    %add3A = arith.addi %slice3A, %slice3A_70 : vector<64x128xi16>
    %slice3A_71 = vector.extract_strided_slice %add3A {offsets = [0, 0], sizes = [32, 128], strides = [1, 1]} : vector<64x128xi16> to vector<32x128xi16>
    %slice3A_72 = vector.extract_strided_slice %add3A {offsets = [32, 0], sizes = [32, 128], strides = [1, 1]} : vector<64x128xi16> to vector<32x128xi16>
    %add3A_73 = arith.addi %slice3A_71, %slice3A_72 : vector<32x128xi16>
    %slice3A_74 = vector.extract_strided_slice %add3A_73 {offsets = [0, 0], sizes = [16, 128], strides = [1, 1]} : vector<32x128xi16> to vector<16x128xi16>
    %slice3A_75 = vector.extract_strided_slice %add3A_73 {offsets = [16, 0], sizes = [16, 128], strides = [1, 1]} : vector<32x128xi16> to vector<16x128xi16>
    %add3A_76 = arith.addi %slice3A_74, %slice3A_75 : vector<16x128xi16>
    %slice3A_77 = vector.extract_strided_slice %add3A_76 {offsets = [0, 0], sizes = [8, 128], strides = [1, 1]} : vector<16x128xi16> to vector<8x128xi16>
    %slice3A_78 = vector.extract_strided_slice %add3A_76 {offsets = [8, 0], sizes = [8, 128], strides = [1, 1]} : vector<16x128xi16> to vector<8x128xi16>
    %add3A_79 = arith.addi %slice3A_77, %slice3A_78 : vector<8x128xi16>
    %slice3A_80 = vector.extract_strided_slice %add3A_79 {offsets = [0, 0], sizes = [4, 128], strides = [1, 1]} : vector<8x128xi16> to vector<4x128xi16>
    %slice3A_81 = vector.extract_strided_slice %add3A_79 {offsets = [4, 0], sizes = [4, 128], strides = [1, 1]} : vector<8x128xi16> to vector<4x128xi16>
    %add3A_82 = arith.addi %slice3A_80, %slice3A_81 : vector<4x128xi16>
    %slice3A_83 = vector.extract_strided_slice %add3A_82 {offsets = [0, 0], sizes = [2, 128], strides = [1, 1]} : vector<4x128xi16> to vector<2x128xi16>
    %slice3A_84 = vector.extract_strided_slice %add3A_82 {offsets = [2, 0], sizes = [2, 128], strides = [1, 1]} : vector<4x128xi16> to vector<2x128xi16>
    %add3A_85 = arith.addi %slice3A_83, %slice3A_84 : vector<2x128xi16>
    %slice3A_86 = vector.extract_strided_slice %add3A_85 {offsets = [0, 0], sizes = [1, 128], strides = [1, 1]} : vector<2x128xi16> to vector<1x128xi16>
    %slice3A_87 = vector.extract_strided_slice %add3A_85 {offsets = [1, 0], sizes = [1, 128], strides = [1, 1]} : vector<2x128xi16> to vector<1x128xi16>
    %add3A_88 = arith.addi %slice3A_86, %slice3A_87 : vector<1x128xi16>
    %convert_element_type3A_89 = arith.extsi %add3A_88 : vector<1x128xi16> to vector<1x128xi32>
    %reduce_sum3A = vector.shape_cast %convert_element_type3A_89 : vector<1x128xi32> to vector<1x1x128xi32>
    %reduce_sum3A_90 = arith.constant dense<0> : vector<1xi32>
    %reduce_sum3A_91 = vector.multi_reduction <add>, %reduce_sum3A, %reduce_sum3A_90 [1, 2] : vector<1x1x128xi32> to vector<1xi32>
    %reduce_sum3A_92 = vector.shape_cast %reduce_sum3A_91 : vector<1xi32> to vector<1x1x1xi32>
    %reduce_sum3A_93 = vector.extract %reduce_sum3A_92[0, 0, 0] : i32 from vector<1x1x1xi32>
    %ge3A_94 = arith.constant 128 : i32
    %ge3A_95 = arith.cmpi sge, %reduce_sum3A_93, %ge3A_94 : i32
    %jit3A = arith.constant 0 : i32
    %jit3A_96 = arith.constant -32768 : i32
    %select_n3A_97 = arith.select %ge3A_95, %jit3A, %jit3A_96 : i32
    %get3A_98 = arith.constant 0 : index
    %get3A_99 = arith.constant 0 : index
    %get3A_100 = vector.load %arg10[%get3A_98, %get3A_99] : memref<128x128xi16, #tpu.memory_space<vmem>>, vector<128x128xi16>
    %ge3A_101 = arith.constant 0 : i16
    %ge3A_102 = vector.broadcast %ge3A_101 : i16 to vector<128x128xi16>
    %ge3A_103 = arith.cmpi sge, %get3A_100, %ge3A_102 : vector<128x128xi16>
    %convert_element_type3A_104 = arith.extui %ge3A_103 : vector<128x128xi1> to vector<128x128xi16>
    %slice3A_105 = vector.extract_strided_slice %convert_element_type3A_104 {offsets = [0, 0], sizes = [64, 128], strides = [1, 1]} : vector<128x128xi16> to vector<64x128xi16>
    %slice3A_106 = vector.extract_strided_slice %convert_element_type3A_104 {offsets = [64, 0], sizes = [64, 128], strides = [1, 1]} : vector<128x128xi16> to vector<64x128xi16>
    %add3A_107 = arith.addi %slice3A_105, %slice3A_106 : vector<64x128xi16>
    %slice3A_108 = vector.extract_strided_slice %add3A_107 {offsets = [0, 0], sizes = [32, 128], strides = [1, 1]} : vector<64x128xi16> to vector<32x128xi16>
    %slice3A_109 = vector.extract_strided_slice %add3A_107 {offsets = [32, 0], sizes = [32, 128], strides = [1, 1]} : vector<64x128xi16> to vector<32x128xi16>
    %add3A_110 = arith.addi %slice3A_108, %slice3A_109 : vector<32x128xi16>
    %slice3A_111 = vector.extract_strided_slice %add3A_110 {offsets = [0, 0], sizes = [16, 128], strides = [1, 1]} : vector<32x128xi16> to vector<16x128xi16>
    %slice3A_112 = vector.extract_strided_slice %add3A_110 {offsets = [16, 0], sizes = [16, 128], strides = [1, 1]} : vector<32x128xi16> to vector<16x128xi16>
    %add3A_113 = arith.addi %slice3A_111, %slice3A_112 : vector<16x128xi16>
    %slice3A_114 = vector.extract_strided_slice %add3A_113 {offsets = [0, 0], sizes = [8, 128], strides = [1, 1]} : vector<16x128xi16> to vector<8x128xi16>
    %slice3A_115 = vector.extract_strided_slice %add3A_113 {offsets = [8, 0], sizes = [8, 128], strides = [1, 1]} : vector<16x128xi16> to vector<8x128xi16>
    %add3A_116 = arith.addi %slice3A_114, %slice3A_115 : vector<8x128xi16>
    %slice3A_117 = vector.extract_strided_slice %add3A_116 {offsets = [0, 0], sizes = [4, 128], strides = [1, 1]} : vector<8x128xi16> to vector<4x128xi16>
    %slice3A_118 = vector.extract_strided_slice %add3A_116 {offsets = [4, 0], sizes = [4, 128], strides = [1, 1]} : vector<8x128xi16> to vector<4x128xi16>
    %add3A_119 = arith.addi %slice3A_117, %slice3A_118 : vector<4x128xi16>
    %slice3A_120 = vector.extract_strided_slice %add3A_119 {offsets = [0, 0], sizes = [2, 128], strides = [1, 1]} : vector<4x128xi16> to vector<2x128xi16>
    %slice3A_121 = vector.extract_strided_slice %add3A_119 {offsets = [2, 0], sizes = [2, 128], strides = [1, 1]} : vector<4x128xi16> to vector<2x128xi16>
    %add3A_122 = arith.addi %slice3A_120, %slice3A_121 : vector<2x128xi16>
    %slice3A_123 = vector.extract_strided_slice %add3A_122 {offsets = [0, 0], sizes = [1, 128], strides = [1, 1]} : vector<2x128xi16> to vector<1x128xi16>
    %slice3A_124 = vector.extract_strided_slice %add3A_122 {offsets = [1, 0], sizes = [1, 128], strides = [1, 1]} : vector<2x128xi16> to vector<1x128xi16>
    %add3A_125 = arith.addi %slice3A_123, %slice3A_124 : vector<1x128xi16>
    %convert_element_type3A_126 = arith.extsi %add3A_125 : vector<1x128xi16> to vector<1x128xi32>
    %reduce_sum3A_127 = vector.shape_cast %convert_element_type3A_126 : vector<1x128xi32> to vector<1x1x128xi32>
    %reduce_sum3A_128 = arith.constant dense<0> : vector<1xi32>
    %reduce_sum3A_129 = vector.multi_reduction <add>, %reduce_sum3A_127, %reduce_sum3A_128 [1, 2] : vector<1x1x128xi32> to vector<1xi32>
    %reduce_sum3A_130 = vector.shape_cast %reduce_sum3A_129 : vector<1xi32> to vector<1x1x1xi32>
    %reduce_sum3A_131 = vector.extract %reduce_sum3A_130[0, 0, 0] : i32 from vector<1x1x1xi32>
    %ge3A_132 = arith.constant 128 : i32
    %ge3A_133 = arith.cmpi sge, %reduce_sum3A_131, %ge3A_132 : i32
    %jit3A_134 = arith.constant 0 : i32
    %jit3A_135 = arith.constant -32768 : i32
    %select_n3A_136 = arith.select %ge3A_133, %jit3A_134, %jit3A_135 : i32
    %scan3A = arith.constant 128 : i32
    %scan3A_137 = arith.constant 0 : i32
    %scan3A_138 = arith.constant 15 : i32
    %scan3A_139 = arith.addi %scan3A_137, %scan3A_138 : i32
    %scan3A_140 = arith.constant 1 : i32
    %scan3A_141:2 = scf.for %scan3A_424 = %scan3A_137 to %scan3A_139 step %scan3A_140 iter_args(%scan3A_425 = %select_n3A_97, %scan3A_426 = %select_n3A_136) -> (i32, i32)  : i32 {
      %sub3A_427 = arith.constant 14 : i32
      %sub3A_428 = arith.subi %sub3A_427, %scan3A_424 : i32
      %shift_left3A_429 = arith.constant 1 : i32
      %shift_left3A_430 = arith.shli %shift_left3A_429, %sub3A_428 : i32
      %or3A_431 = arith.ori %scan3A_425, %shift_left3A_430 : i32
      %or3A_432 = arith.ori %scan3A_426, %shift_left3A_430 : i32
      %convert_element_type3A_433 = arith.trunci %or3A_431 : i32 to i16
      %get3A_434 = arith.constant 0 : index
      %get3A_435 = arith.constant 0 : index
      %get3A_436 = vector.load %arg8[%get3A_434, %get3A_435] : memref<128x128xi16, #tpu.memory_space<vmem>>, vector<128x128xi16>
      %ge3A_437 = vector.broadcast %convert_element_type3A_433 : i16 to vector<128x128xi16>
      %ge3A_438 = arith.cmpi sge, %get3A_436, %ge3A_437 : vector<128x128xi16>
      %convert_element_type3A_439 = arith.extui %ge3A_438 : vector<128x128xi1> to vector<128x128xi16>
      %slice3A_440 = vector.extract_strided_slice %convert_element_type3A_439 {offsets = [0, 0], sizes = [64, 128], strides = [1, 1]} : vector<128x128xi16> to vector<64x128xi16>
      %slice3A_441 = vector.extract_strided_slice %convert_element_type3A_439 {offsets = [64, 0], sizes = [64, 128], strides = [1, 1]} : vector<128x128xi16> to vector<64x128xi16>
      %add3A_442 = arith.addi %slice3A_440, %slice3A_441 : vector<64x128xi16>
      %slice3A_443 = vector.extract_strided_slice %add3A_442 {offsets = [0, 0], sizes = [32, 128], strides = [1, 1]} : vector<64x128xi16> to vector<32x128xi16>
      %slice3A_444 = vector.extract_strided_slice %add3A_442 {offsets = [32, 0], sizes = [32, 128], strides = [1, 1]} : vector<64x128xi16> to vector<32x128xi16>
      %add3A_445 = arith.addi %slice3A_443, %slice3A_444 : vector<32x128xi16>
      %slice3A_446 = vector.extract_strided_slice %add3A_445 {offsets = [0, 0], sizes = [16, 128], strides = [1, 1]} : vector<32x128xi16> to vector<16x128xi16>
      %slice3A_447 = vector.extract_strided_slice %add3A_445 {offsets = [16, 0], sizes = [16, 128], strides = [1, 1]} : vector<32x128xi16> to vector<16x128xi16>
      %add3A_448 = arith.addi %slice3A_446, %slice3A_447 : vector<16x128xi16>
      %slice3A_449 = vector.extract_strided_slice %add3A_448 {offsets = [0, 0], sizes = [8, 128], strides = [1, 1]} : vector<16x128xi16> to vector<8x128xi16>
      %slice3A_450 = vector.extract_strided_slice %add3A_448 {offsets = [8, 0], sizes = [8, 128], strides = [1, 1]} : vector<16x128xi16> to vector<8x128xi16>
      %add3A_451 = arith.addi %slice3A_449, %slice3A_450 : vector<8x128xi16>
      %slice3A_452 = vector.extract_strided_slice %add3A_451 {offsets = [0, 0], sizes = [4, 128], strides = [1, 1]} : vector<8x128xi16> to vector<4x128xi16>
      %slice3A_453 = vector.extract_strided_slice %add3A_451 {offsets = [4, 0], sizes = [4, 128], strides = [1, 1]} : vector<8x128xi16> to vector<4x128xi16>
      %add3A_454 = arith.addi %slice3A_452, %slice3A_453 : vector<4x128xi16>
      %slice3A_455 = vector.extract_strided_slice %add3A_454 {offsets = [0, 0], sizes = [2, 128], strides = [1, 1]} : vector<4x128xi16> to vector<2x128xi16>
      %slice3A_456 = vector.extract_strided_slice %add3A_454 {offsets = [2, 0], sizes = [2, 128], strides = [1, 1]} : vector<4x128xi16> to vector<2x128xi16>
      %add3A_457 = arith.addi %slice3A_455, %slice3A_456 : vector<2x128xi16>
      %slice3A_458 = vector.extract_strided_slice %add3A_457 {offsets = [0, 0], sizes = [1, 128], strides = [1, 1]} : vector<2x128xi16> to vector<1x128xi16>
      %slice3A_459 = vector.extract_strided_slice %add3A_457 {offsets = [1, 0], sizes = [1, 128], strides = [1, 1]} : vector<2x128xi16> to vector<1x128xi16>
      %add3A_460 = arith.addi %slice3A_458, %slice3A_459 : vector<1x128xi16>
      %convert_element_type3A_461 = arith.extsi %add3A_460 : vector<1x128xi16> to vector<1x128xi32>
      %reduce_sum3A_462 = vector.shape_cast %convert_element_type3A_461 : vector<1x128xi32> to vector<1x1x128xi32>
      %reduce_sum3A_463 = arith.constant dense<0> : vector<1xi32>
      %reduce_sum3A_464 = vector.multi_reduction <add>, %reduce_sum3A_462, %reduce_sum3A_463 [1, 2] : vector<1x1x128xi32> to vector<1xi32>
      %reduce_sum3A_465 = vector.shape_cast %reduce_sum3A_464 : vector<1xi32> to vector<1x1x1xi32>
      %reduce_sum3A_466 = vector.extract %reduce_sum3A_465[0, 0, 0] : i32 from vector<1x1x1xi32>
      %ge3A_467 = arith.cmpi sge, %reduce_sum3A_466, %scan3A : i32
      %select_n3A_468 = arith.select %ge3A_467, %or3A_431, %scan3A_425 : i32
      %convert_element_type3A_469 = arith.trunci %or3A_432 : i32 to i16
      %get3A_470 = arith.constant 0 : index
      %get3A_471 = arith.constant 0 : index
      %get3A_472 = vector.load %arg10[%get3A_470, %get3A_471] : memref<128x128xi16, #tpu.memory_space<vmem>>, vector<128x128xi16>
      %ge3A_473 = vector.broadcast %convert_element_type3A_469 : i16 to vector<128x128xi16>
      %ge3A_474 = arith.cmpi sge, %get3A_472, %ge3A_473 : vector<128x128xi16>
      %convert_element_type3A_475 = arith.extui %ge3A_474 : vector<128x128xi1> to vector<128x128xi16>
      %slice3A_476 = vector.extract_strided_slice %convert_element_type3A_475 {offsets = [0, 0], sizes = [64, 128], strides = [1, 1]} : vector<128x128xi16> to vector<64x128xi16>
      %slice3A_477 = vector.extract_strided_slice %convert_element_type3A_475 {offsets = [64, 0], sizes = [64, 128], strides = [1, 1]} : vector<128x128xi16> to vector<64x128xi16>
      %add3A_478 = arith.addi %slice3A_476, %slice3A_477 : vector<64x128xi16>
      %slice3A_479 = vector.extract_strided_slice %add3A_478 {offsets = [0, 0], sizes = [32, 128], strides = [1, 1]} : vector<64x128xi16> to vector<32x128xi16>
      %slice3A_480 = vector.extract_strided_slice %add3A_478 {offsets = [32, 0], sizes = [32, 128], strides = [1, 1]} : vector<64x128xi16> to vector<32x128xi16>
      %add3A_481 = arith.addi %slice3A_479, %slice3A_480 : vector<32x128xi16>
      %slice3A_482 = vector.extract_strided_slice %add3A_481 {offsets = [0, 0], sizes = [16, 128], strides = [1, 1]} : vector<32x128xi16> to vector<16x128xi16>
      %slice3A_483 = vector.extract_strided_slice %add3A_481 {offsets = [16, 0], sizes = [16, 128], strides = [1, 1]} : vector<32x128xi16> to vector<16x128xi16>
      %add3A_484 = arith.addi %slice3A_482, %slice3A_483 : vector<16x128xi16>
      %slice3A_485 = vector.extract_strided_slice %add3A_484 {offsets = [0, 0], sizes = [8, 128], strides = [1, 1]} : vector<16x128xi16> to vector<8x128xi16>
      %slice3A_486 = vector.extract_strided_slice %add3A_484 {offsets = [8, 0], sizes = [8, 128], strides = [1, 1]} : vector<16x128xi16> to vector<8x128xi16>
      %add3A_487 = arith.addi %slice3A_485, %slice3A_486 : vector<8x128xi16>
      %slice3A_488 = vector.extract_strided_slice %add3A_487 {offsets = [0, 0], sizes = [4, 128], strides = [1, 1]} : vector<8x128xi16> to vector<4x128xi16>
      %slice3A_489 = vector.extract_strided_slice %add3A_487 {offsets = [4, 0], sizes = [4, 128], strides = [1, 1]} : vector<8x128xi16> to vector<4x128xi16>
      %add3A_490 = arith.addi %slice3A_488, %slice3A_489 : vector<4x128xi16>
      %slice3A_491 = vector.extract_strided_slice %add3A_490 {offsets = [0, 0], sizes = [2, 128], strides = [1, 1]} : vector<4x128xi16> to vector<2x128xi16>
      %slice3A_492 = vector.extract_strided_slice %add3A_490 {offsets = [2, 0], sizes = [2, 128], strides = [1, 1]} : vector<4x128xi16> to vector<2x128xi16>
      %add3A_493 = arith.addi %slice3A_491, %slice3A_492 : vector<2x128xi16>
      %slice3A_494 = vector.extract_strided_slice %add3A_493 {offsets = [0, 0], sizes = [1, 128], strides = [1, 1]} : vector<2x128xi16> to vector<1x128xi16>
      %slice3A_495 = vector.extract_strided_slice %add3A_493 {offsets = [1, 0], sizes = [1, 128], strides = [1, 1]} : vector<2x128xi16> to vector<1x128xi16>
      %add3A_496 = arith.addi %slice3A_494, %slice3A_495 : vector<1x128xi16>
      %convert_element_type3A_497 = arith.extsi %add3A_496 : vector<1x128xi16> to vector<1x128xi32>
      %reduce_sum3A_498 = vector.shape_cast %convert_element_type3A_497 : vector<1x128xi32> to vector<1x1x128xi32>
      %reduce_sum3A_499 = arith.constant dense<0> : vector<1xi32>
      %reduce_sum3A_500 = vector.multi_reduction <add>, %reduce_sum3A_498, %reduce_sum3A_499 [1, 2] : vector<1x1x128xi32> to vector<1xi32>
      %reduce_sum3A_501 = vector.shape_cast %reduce_sum3A_500 : vector<1xi32> to vector<1x1x1xi32>
      %reduce_sum3A_502 = vector.extract %reduce_sum3A_501[0, 0, 0] : i32 from vector<1x1x1xi32>
      %ge3A_503 = arith.cmpi sge, %reduce_sum3A_502, %scan3A : i32
      %select_n3A_504 = arith.select %ge3A_503, %or3A_432, %scan3A_426 : i32
      scf.yield %select_n3A_468, %select_n3A_504 : i32, i32
    }
    %scan3A_142 = arith.constant 15 : i32
    %add3A_143 = arith.constant 1 : i32
    %add3A_144 = arith.addi %scan3A_141#0, %add3A_143 : i32
    %convert_element_type3A_145 = arith.trunci %add3A_144 : i32 to i16
    %get3A_146 = arith.constant 0 : index
    %get3A_147 = arith.constant 0 : index
    %get3A_148 = vector.load %arg8[%get3A_146, %get3A_147] : memref<128x128xi16, #tpu.memory_space<vmem>>, vector<128x128xi16>
    %ge3A_149 = vector.broadcast %convert_element_type3A_145 : i16 to vector<128x128xi16>
    %ge3A_150 = arith.cmpi sge, %get3A_148, %ge3A_149 : vector<128x128xi16>
    %convert_element_type3A_151 = arith.extui %ge3A_150 : vector<128x128xi1> to vector<128x128xi16>
    %slice3A_152 = vector.extract_strided_slice %convert_element_type3A_151 {offsets = [0, 0], sizes = [64, 128], strides = [1, 1]} : vector<128x128xi16> to vector<64x128xi16>
    %slice3A_153 = vector.extract_strided_slice %convert_element_type3A_151 {offsets = [64, 0], sizes = [64, 128], strides = [1, 1]} : vector<128x128xi16> to vector<64x128xi16>
    %add3A_154 = arith.addi %slice3A_152, %slice3A_153 : vector<64x128xi16>
    %slice3A_155 = vector.extract_strided_slice %add3A_154 {offsets = [0, 0], sizes = [32, 128], strides = [1, 1]} : vector<64x128xi16> to vector<32x128xi16>
    %slice3A_156 = vector.extract_strided_slice %add3A_154 {offsets = [32, 0], sizes = [32, 128], strides = [1, 1]} : vector<64x128xi16> to vector<32x128xi16>
    %add3A_157 = arith.addi %slice3A_155, %slice3A_156 : vector<32x128xi16>
    %slice3A_158 = vector.extract_strided_slice %add3A_157 {offsets = [0, 0], sizes = [16, 128], strides = [1, 1]} : vector<32x128xi16> to vector<16x128xi16>
    %slice3A_159 = vector.extract_strided_slice %add3A_157 {offsets = [16, 0], sizes = [16, 128], strides = [1, 1]} : vector<32x128xi16> to vector<16x128xi16>
    %add3A_160 = arith.addi %slice3A_158, %slice3A_159 : vector<16x128xi16>
    %slice3A_161 = vector.extract_strided_slice %add3A_160 {offsets = [0, 0], sizes = [8, 128], strides = [1, 1]} : vector<16x128xi16> to vector<8x128xi16>
    %slice3A_162 = vector.extract_strided_slice %add3A_160 {offsets = [8, 0], sizes = [8, 128], strides = [1, 1]} : vector<16x128xi16> to vector<8x128xi16>
    %add3A_163 = arith.addi %slice3A_161, %slice3A_162 : vector<8x128xi16>
    %slice3A_164 = vector.extract_strided_slice %add3A_163 {offsets = [0, 0], sizes = [4, 128], strides = [1, 1]} : vector<8x128xi16> to vector<4x128xi16>
    %slice3A_165 = vector.extract_strided_slice %add3A_163 {offsets = [4, 0], sizes = [4, 128], strides = [1, 1]} : vector<8x128xi16> to vector<4x128xi16>
    %add3A_166 = arith.addi %slice3A_164, %slice3A_165 : vector<4x128xi16>
    %slice3A_167 = vector.extract_strided_slice %add3A_166 {offsets = [0, 0], sizes = [2, 128], strides = [1, 1]} : vector<4x128xi16> to vector<2x128xi16>
    %slice3A_168 = vector.extract_strided_slice %add3A_166 {offsets = [2, 0], sizes = [2, 128], strides = [1, 1]} : vector<4x128xi16> to vector<2x128xi16>
    %add3A_169 = arith.addi %slice3A_167, %slice3A_168 : vector<2x128xi16>
    %slice3A_170 = vector.extract_strided_slice %add3A_169 {offsets = [0, 0], sizes = [1, 128], strides = [1, 1]} : vector<2x128xi16> to vector<1x128xi16>
    %slice3A_171 = vector.extract_strided_slice %add3A_169 {offsets = [1, 0], sizes = [1, 128], strides = [1, 1]} : vector<2x128xi16> to vector<1x128xi16>
    %add3A_172 = arith.addi %slice3A_170, %slice3A_171 : vector<1x128xi16>
    %convert_element_type3A_173 = arith.extsi %add3A_172 : vector<1x128xi16> to vector<1x128xi32>
    %reduce_sum3A_174 = vector.shape_cast %convert_element_type3A_173 : vector<1x128xi32> to vector<1x1x128xi32>
    %reduce_sum3A_175 = arith.constant dense<0> : vector<1xi32>
    %reduce_sum3A_176 = vector.multi_reduction <add>, %reduce_sum3A_174, %reduce_sum3A_175 [1, 2] : vector<1x1x128xi32> to vector<1xi32>
    %reduce_sum3A_177 = vector.shape_cast %reduce_sum3A_176 : vector<1xi32> to vector<1x1x1xi32>
    %reduce_sum3A_178 = vector.extract %reduce_sum3A_177[0, 0, 0] : i32 from vector<1x1x1xi32>
    %sub3A = arith.constant 128 : i32
    %sub3A_179 = arith.subi %sub3A, %reduce_sum3A_178 : i32
    %add3A_180 = arith.constant 1 : i32
    %add3A_181 = arith.addi %scan3A_141#1, %add3A_180 : i32
    %convert_element_type3A_182 = arith.trunci %add3A_181 : i32 to i16
    %get3A_183 = arith.constant 0 : index
    %get3A_184 = arith.constant 0 : index
    %get3A_185 = vector.load %arg10[%get3A_183, %get3A_184] : memref<128x128xi16, #tpu.memory_space<vmem>>, vector<128x128xi16>
    %ge3A_186 = vector.broadcast %convert_element_type3A_182 : i16 to vector<128x128xi16>
    %ge3A_187 = arith.cmpi sge, %get3A_185, %ge3A_186 : vector<128x128xi16>
    %convert_element_type3A_188 = arith.extui %ge3A_187 : vector<128x128xi1> to vector<128x128xi16>
    %slice3A_189 = vector.extract_strided_slice %convert_element_type3A_188 {offsets = [0, 0], sizes = [64, 128], strides = [1, 1]} : vector<128x128xi16> to vector<64x128xi16>
    %slice3A_190 = vector.extract_strided_slice %convert_element_type3A_188 {offsets = [64, 0], sizes = [64, 128], strides = [1, 1]} : vector<128x128xi16> to vector<64x128xi16>
    %add3A_191 = arith.addi %slice3A_189, %slice3A_190 : vector<64x128xi16>
    %slice3A_192 = vector.extract_strided_slice %add3A_191 {offsets = [0, 0], sizes = [32, 128], strides = [1, 1]} : vector<64x128xi16> to vector<32x128xi16>
    %slice3A_193 = vector.extract_strided_slice %add3A_191 {offsets = [32, 0], sizes = [32, 128], strides = [1, 1]} : vector<64x128xi16> to vector<32x128xi16>
    %add3A_194 = arith.addi %slice3A_192, %slice3A_193 : vector<32x128xi16>
    %slice3A_195 = vector.extract_strided_slice %add3A_194 {offsets = [0, 0], sizes = [16, 128], strides = [1, 1]} : vector<32x128xi16> to vector<16x128xi16>
    %slice3A_196 = vector.extract_strided_slice %add3A_194 {offsets = [16, 0], sizes = [16, 128], strides = [1, 1]} : vector<32x128xi16> to vector<16x128xi16>
    %add3A_197 = arith.addi %slice3A_195, %slice3A_196 : vector<16x128xi16>
    %slice3A_198 = vector.extract_strided_slice %add3A_197 {offsets = [0, 0], sizes = [8, 128], strides = [1, 1]} : vector<16x128xi16> to vector<8x128xi16>
    %slice3A_199 = vector.extract_strided_slice %add3A_197 {offsets = [8, 0], sizes = [8, 128], strides = [1, 1]} : vector<16x128xi16> to vector<8x128xi16>
    %add3A_200 = arith.addi %slice3A_198, %slice3A_199 : vector<8x128xi16>
    %slice3A_201 = vector.extract_strided_slice %add3A_200 {offsets = [0, 0], sizes = [4, 128], strides = [1, 1]} : vector<8x128xi16> to vector<4x128xi16>
    %slice3A_202 = vector.extract_strided_slice %add3A_200 {offsets = [4, 0], sizes = [4, 128], strides = [1, 1]} : vector<8x128xi16> to vector<4x128xi16>
    %add3A_203 = arith.addi %slice3A_201, %slice3A_202 : vector<4x128xi16>
    %slice3A_204 = vector.extract_strided_slice %add3A_203 {offsets = [0, 0], sizes = [2, 128], strides = [1, 1]} : vector<4x128xi16> to vector<2x128xi16>
    %slice3A_205 = vector.extract_strided_slice %add3A_203 {offsets = [2, 0], sizes = [2, 128], strides = [1, 1]} : vector<4x128xi16> to vector<2x128xi16>
    %add3A_206 = arith.addi %slice3A_204, %slice3A_205 : vector<2x128xi16>
    %slice3A_207 = vector.extract_strided_slice %add3A_206 {offsets = [0, 0], sizes = [1, 128], strides = [1, 1]} : vector<2x128xi16> to vector<1x128xi16>
    %slice3A_208 = vector.extract_strided_slice %add3A_206 {offsets = [1, 0], sizes = [1, 128], strides = [1, 1]} : vector<2x128xi16> to vector<1x128xi16>
    %add3A_209 = arith.addi %slice3A_207, %slice3A_208 : vector<1x128xi16>
    %convert_element_type3A_210 = arith.extsi %add3A_209 : vector<1x128xi16> to vector<1x128xi32>
    %reduce_sum3A_211 = vector.shape_cast %convert_element_type3A_210 : vector<1x128xi32> to vector<1x1x128xi32>
    %reduce_sum3A_212 = arith.constant dense<0> : vector<1xi32>
    %reduce_sum3A_213 = vector.multi_reduction <add>, %reduce_sum3A_211, %reduce_sum3A_212 [1, 2] : vector<1x1x128xi32> to vector<1xi32>
    %reduce_sum3A_214 = vector.shape_cast %reduce_sum3A_213 : vector<1xi32> to vector<1x1x1xi32>
    %reduce_sum3A_215 = vector.extract %reduce_sum3A_214[0, 0, 0] : i32 from vector<1x1x1xi32>
    %sub3A_216 = arith.constant 128 : i32
    %sub3A_217 = arith.subi %sub3A_216, %reduce_sum3A_215 : i32
    %get3A_218 = arith.constant 0 : index
    %get3A_219 = arith.constant 0 : index
    %get3A_220 = vector.load %arg8[%get3A_218, %get3A_219] : memref<128x128xi16, #tpu.memory_space<vmem>>, vector<128x128xi16>
    %convert_element_type3A_221 = arith.trunci %scan3A_141#0 : i32 to i16
    %eq3A = vector.broadcast %convert_element_type3A_221 : i16 to vector<128x128xi16>
    %eq3A_222 = arith.cmpi eq, %get3A_220, %eq3A : vector<128x128xi16>
    %get3A_223 = arith.constant 0 : index
    %get3A_224 = arith.constant 0 : index
    %get3A_225 = vector.load %arg9[%get3A_223, %get3A_224] : memref<128x128xi16, #tpu.memory_space<vmem>>, vector<128x128xi16>
    %jit3A_226 = arith.constant -32768 : i16
    %broadcast_in_dim3A = vector.broadcast %jit3A_226 : i16 to vector<128x128xi16>
    %select_n3A_227 = arith.select %eq3A_222, %get3A_225, %broadcast_in_dim3A : vector<128x128xi1>, vector<128x128xi16>
    %swap3A_228 = arith.constant 0 : index
    %swap3A_229 = arith.constant 0 : index
    %swap3A_230 = vector.load %arg9[%swap3A_228, %swap3A_229] : memref<128x128xi16, #tpu.memory_space<vmem>>, vector<128x128xi16>
    tpu.vector_store %arg9[%swap3A_228, %swap3A_229], %select_n3A_227 {strides = array<i32>} : memref<128x128xi16, #tpu.memory_space<vmem>>, vector<128x128xi16>,
    %get3A_231 = arith.constant 0 : index
    %get3A_232 = arith.constant 0 : index
    %get3A_233 = vector.load %arg10[%get3A_231, %get3A_232] : memref<128x128xi16, #tpu.memory_space<vmem>>, vector<128x128xi16>
    %convert_element_type3A_234 = arith.trunci %scan3A_141#1 : i32 to i16
    %eq3A_235 = vector.broadcast %convert_element_type3A_234 : i16 to vector<128x128xi16>
    %eq3A_236 = arith.cmpi eq, %get3A_233, %eq3A_235 : vector<128x128xi16>
    %get3A_237 = arith.constant 0 : index
    %get3A_238 = arith.constant 0 : index
    %get3A_239 = vector.load %arg11[%get3A_237, %get3A_238] : memref<128x128xi16, #tpu.memory_space<vmem>>, vector<128x128xi16>
    %jit3A_240 = arith.constant -32768 : i16
    %broadcast_in_dim3A_241 = vector.broadcast %jit3A_240 : i16 to vector<128x128xi16>
    %select_n3A_242 = arith.select %eq3A_236, %get3A_239, %broadcast_in_dim3A_241 : vector<128x128xi1>, vector<128x128xi16>
    %swap3A_243 = arith.constant 0 : index
    %swap3A_244 = arith.constant 0 : index
    %swap3A_245 = vector.load %arg11[%swap3A_243, %swap3A_244] : memref<128x128xi16, #tpu.memory_space<vmem>>, vector<128x128xi16>
    tpu.vector_store %arg11[%swap3A_243, %swap3A_244], %select_n3A_242 {strides = array<i32>} : memref<128x128xi16, #tpu.memory_space<vmem>>, vector<128x128xi16>,
    %get3A_246 = arith.constant 0 : index
    %get3A_247 = arith.constant 0 : index
    %get3A_248 = vector.load %arg9[%get3A_246, %get3A_247] : memref<128x128xi16, #tpu.memory_space<vmem>>, vector<128x128xi16>
    %ge3A_249 = arith.constant 0 : i16
    %ge3A_250 = vector.broadcast %ge3A_249 : i16 to vector<128x128xi16>
    %ge3A_251 = arith.cmpi sge, %get3A_248, %ge3A_250 : vector<128x128xi16>
    %convert_element_type3A_252 = arith.extui %ge3A_251 : vector<128x128xi1> to vector<128x128xi16>
    %slice3A_253 = vector.extract_strided_slice %convert_element_type3A_252 {offsets = [0, 0], sizes = [64, 128], strides = [1, 1]} : vector<128x128xi16> to vector<64x128xi16>
    %slice3A_254 = vector.extract_strided_slice %convert_element_type3A_252 {offsets = [64, 0], sizes = [64, 128], strides = [1, 1]} : vector<128x128xi16> to vector<64x128xi16>
    %add3A_255 = arith.addi %slice3A_253, %slice3A_254 : vector<64x128xi16>
    %slice3A_256 = vector.extract_strided_slice %add3A_255 {offsets = [0, 0], sizes = [32, 128], strides = [1, 1]} : vector<64x128xi16> to vector<32x128xi16>
    %slice3A_257 = vector.extract_strided_slice %add3A_255 {offsets = [32, 0], sizes = [32, 128], strides = [1, 1]} : vector<64x128xi16> to vector<32x128xi16>
    %add3A_258 = arith.addi %slice3A_256, %slice3A_257 : vector<32x128xi16>
    %slice3A_259 = vector.extract_strided_slice %add3A_258 {offsets = [0, 0], sizes = [16, 128], strides = [1, 1]} : vector<32x128xi16> to vector<16x128xi16>
    %slice3A_260 = vector.extract_strided_slice %add3A_258 {offsets = [16, 0], sizes = [16, 128], strides = [1, 1]} : vector<32x128xi16> to vector<16x128xi16>
    %add3A_261 = arith.addi %slice3A_259, %slice3A_260 : vector<16x128xi16>
    %slice3A_262 = vector.extract_strided_slice %add3A_261 {offsets = [0, 0], sizes = [8, 128], strides = [1, 1]} : vector<16x128xi16> to vector<8x128xi16>
    %slice3A_263 = vector.extract_strided_slice %add3A_261 {offsets = [8, 0], sizes = [8, 128], strides = [1, 1]} : vector<16x128xi16> to vector<8x128xi16>
    %add3A_264 = arith.addi %slice3A_262, %slice3A_263 : vector<8x128xi16>
    %slice3A_265 = vector.extract_strided_slice %add3A_264 {offsets = [0, 0], sizes = [4, 128], strides = [1, 1]} : vector<8x128xi16> to vector<4x128xi16>
    %slice3A_266 = vector.extract_strided_slice %add3A_264 {offsets = [4, 0], sizes = [4, 128], strides = [1, 1]} : vector<8x128xi16> to vector<4x128xi16>
    %add3A_267 = arith.addi %slice3A_265, %slice3A_266 : vector<4x128xi16>
    %slice3A_268 = vector.extract_strided_slice %add3A_267 {offsets = [0, 0], sizes = [2, 128], strides = [1, 1]} : vector<4x128xi16> to vector<2x128xi16>
    %slice3A_269 = vector.extract_strided_slice %add3A_267 {offsets = [2, 0], sizes = [2, 128], strides = [1, 1]} : vector<4x128xi16> to vector<2x128xi16>
    %add3A_270 = arith.addi %slice3A_268, %slice3A_269 : vector<2x128xi16>
    %slice3A_271 = vector.extract_strided_slice %add3A_270 {offsets = [0, 0], sizes = [1, 128], strides = [1, 1]} : vector<2x128xi16> to vector<1x128xi16>
    %slice3A_272 = vector.extract_strided_slice %add3A_270 {offsets = [1, 0], sizes = [1, 128], strides = [1, 1]} : vector<2x128xi16> to vector<1x128xi16>
    %add3A_273 = arith.addi %slice3A_271, %slice3A_272 : vector<1x128xi16>
    %convert_element_type3A_274 = arith.extsi %add3A_273 : vector<1x128xi16> to vector<1x128xi32>
    %reduce_sum3A_275 = vector.shape_cast %convert_element_type3A_274 : vector<1x128xi32> to vector<1x1x128xi32>
    %reduce_sum3A_276 = arith.constant dense<0> : vector<1xi32>
    %reduce_sum3A_277 = vector.multi_reduction <add>, %reduce_sum3A_275, %reduce_sum3A_276 [1, 2] : vector<1x1x128xi32> to vector<1xi32>
    %reduce_sum3A_278 = vector.shape_cast %reduce_sum3A_277 : vector<1xi32> to vector<1x1x1xi32>
    %reduce_sum3A_279 = vector.extract %reduce_sum3A_278[0, 0, 0] : i32 from vector<1x1x1xi32>
    %ge3A_280 = arith.cmpi sge, %reduce_sum3A_279, %sub3A_179 : i32
    %jit3A_281 = arith.constant 0 : i32
    %jit3A_282 = arith.constant -32768 : i32
    %select_n3A_283 = arith.select %ge3A_280, %jit3A_281, %jit3A_282 : i32
    %get3A_284 = arith.constant 0 : index
    %get3A_285 = arith.constant 0 : index
    %get3A_286 = vector.load %arg11[%get3A_284, %get3A_285] : memref<128x128xi16, #tpu.memory_space<vmem>>, vector<128x128xi16>
    %ge3A_287 = arith.constant 0 : i16
    %ge3A_288 = vector.broadcast %ge3A_287 : i16 to vector<128x128xi16>
    %ge3A_289 = arith.cmpi sge, %get3A_286, %ge3A_288 : vector<128x128xi16>
    %convert_element_type3A_290 = arith.extui %ge3A_289 : vector<128x128xi1> to vector<128x128xi16>
    %slice3A_291 = vector.extract_strided_slice %convert_element_type3A_290 {offsets = [0, 0], sizes = [64, 128], strides = [1, 1]} : vector<128x128xi16> to vector<64x128xi16>
    %slice3A_292 = vector.extract_strided_slice %convert_element_type3A_290 {offsets = [64, 0], sizes = [64, 128], strides = [1, 1]} : vector<128x128xi16> to vector<64x128xi16>
    %add3A_293 = arith.addi %slice3A_291, %slice3A_292 : vector<64x128xi16>
    %slice3A_294 = vector.extract_strided_slice %add3A_293 {offsets = [0, 0], sizes = [32, 128], strides = [1, 1]} : vector<64x128xi16> to vector<32x128xi16>
    %slice3A_295 = vector.extract_strided_slice %add3A_293 {offsets = [32, 0], sizes = [32, 128], strides = [1, 1]} : vector<64x128xi16> to vector<32x128xi16>
    %add3A_296 = arith.addi %slice3A_294, %slice3A_295 : vector<32x128xi16>
    %slice3A_297 = vector.extract_strided_slice %add3A_296 {offsets = [0, 0], sizes = [16, 128], strides = [1, 1]} : vector<32x128xi16> to vector<16x128xi16>
    %slice3A_298 = vector.extract_strided_slice %add3A_296 {offsets = [16, 0], sizes = [16, 128], strides = [1, 1]} : vector<32x128xi16> to vector<16x128xi16>
    %add3A_299 = arith.addi %slice3A_297, %slice3A_298 : vector<16x128xi16>
    %slice3A_300 = vector.extract_strided_slice %add3A_299 {offsets = [0, 0], sizes = [8, 128], strides = [1, 1]} : vector<16x128xi16> to vector<8x128xi16>
    %slice3A_301 = vector.extract_strided_slice %add3A_299 {offsets = [8, 0], sizes = [8, 128], strides = [1, 1]} : vector<16x128xi16> to vector<8x128xi16>
    %add3A_302 = arith.addi %slice3A_300, %slice3A_301 : vector<8x128xi16>
    %slice3A_303 = vector.extract_strided_slice %add3A_302 {offsets = [0, 0], sizes = [4, 128], strides = [1, 1]} : vector<8x128xi16> to vector<4x128xi16>
    %slice3A_304 = vector.extract_strided_slice %add3A_302 {offsets = [4, 0], sizes = [4, 128], strides = [1, 1]} : vector<8x128xi16> to vector<4x128xi16>
    %add3A_305 = arith.addi %slice3A_303, %slice3A_304 : vector<4x128xi16>
    %slice3A_306 = vector.extract_strided_slice %add3A_305 {offsets = [0, 0], sizes = [2, 128], strides = [1, 1]} : vector<4x128xi16> to vector<2x128xi16>
    %slice3A_307 = vector.extract_strided_slice %add3A_305 {offsets = [2, 0], sizes = [2, 128], strides = [1, 1]} : vector<4x128xi16> to vector<2x128xi16>
    %add3A_308 = arith.addi %slice3A_306, %slice3A_307 : vector<2x128xi16>
    %slice3A_309 = vector.extract_strided_slice %add3A_308 {offsets = [0, 0], sizes = [1, 128], strides = [1, 1]} : vector<2x128xi16> to vector<1x128xi16>
    %slice3A_310 = vector.extract_strided_slice %add3A_308 {offsets = [1, 0], sizes = [1, 128], strides = [1, 1]} : vector<2x128xi16> to vector<1x128xi16>
    %add3A_311 = arith.addi %slice3A_309, %slice3A_310 : vector<1x128xi16>
    %convert_element_type3A_312 = arith.extsi %add3A_311 : vector<1x128xi16> to vector<1x128xi32>
    %reduce_sum3A_313 = vector.shape_cast %convert_element_type3A_312 : vector<1x128xi32> to vector<1x1x128xi32>
    %reduce_sum3A_314 = arith.constant dense<0> : vector<1xi32>
    %reduce_sum3A_315 = vector.multi_reduction <add>, %reduce_sum3A_313, %reduce_sum3A_314 [1, 2] : vector<1x1x128xi32> to vector<1xi32>
    %reduce_sum3A_316 = vector.shape_cast %reduce_sum3A_315 : vector<1xi32> to vector<1x1x1xi32>
    %reduce_sum3A_317 = vector.extract %reduce_sum3A_316[0, 0, 0] : i32 from vector<1x1x1xi32>
    %ge3A_318 = arith.cmpi sge, %reduce_sum3A_317, %sub3A_217 : i32
    %jit3A_319 = arith.constant 0 : i32
    %jit3A_320 = arith.constant -32768 : i32
    %select_n3A_321 = arith.select %ge3A_318, %jit3A_319, %jit3A_320 : i32
    %scan3A_322 = arith.constant 0 : i32
    %scan3A_323 = arith.constant 15 : i32
    %scan3A_324 = arith.addi %scan3A_322, %scan3A_323 : i32
    %scan3A_325 = arith.constant 1 : i32
    %scan3A_326:2 = scf.for %scan3A_424 = %scan3A_322 to %scan3A_324 step %scan3A_325 iter_args(%scan3A_425 = %select_n3A_283, %scan3A_426 = %select_n3A_321) -> (i32, i32)  : i32 {
      %sub3A_427 = arith.constant 14 : i32
      %sub3A_428 = arith.subi %sub3A_427, %scan3A_424 : i32
      %shift_left3A_429 = arith.constant 1 : i32
      %shift_left3A_430 = arith.shli %shift_left3A_429, %sub3A_428 : i32
      %or3A_431 = arith.ori %scan3A_425, %shift_left3A_430 : i32
      %or3A_432 = arith.ori %scan3A_426, %shift_left3A_430 : i32
      %convert_element_type3A_433 = arith.trunci %or3A_431 : i32 to i16
      %get3A_434 = arith.constant 0 : index
      %get3A_435 = arith.constant 0 : index
      %get3A_436 = vector.load %arg9[%get3A_434, %get3A_435] : memref<128x128xi16, #tpu.memory_space<vmem>>, vector<128x128xi16>
      %ge3A_437 = vector.broadcast %convert_element_type3A_433 : i16 to vector<128x128xi16>
      %ge3A_438 = arith.cmpi sge, %get3A_436, %ge3A_437 : vector<128x128xi16>
      %convert_element_type3A_439 = arith.extui %ge3A_438 : vector<128x128xi1> to vector<128x128xi16>
      %slice3A_440 = vector.extract_strided_slice %convert_element_type3A_439 {offsets = [0, 0], sizes = [64, 128], strides = [1, 1]} : vector<128x128xi16> to vector<64x128xi16>
      %slice3A_441 = vector.extract_strided_slice %convert_element_type3A_439 {offsets = [64, 0], sizes = [64, 128], strides = [1, 1]} : vector<128x128xi16> to vector<64x128xi16>
      %add3A_442 = arith.addi %slice3A_440, %slice3A_441 : vector<64x128xi16>
      %slice3A_443 = vector.extract_strided_slice %add3A_442 {offsets = [0, 0], sizes = [32, 128], strides = [1, 1]} : vector<64x128xi16> to vector<32x128xi16>
      %slice3A_444 = vector.extract_strided_slice %add3A_442 {offsets = [32, 0], sizes = [32, 128], strides = [1, 1]} : vector<64x128xi16> to vector<32x128xi16>
      %add3A_445 = arith.addi %slice3A_443, %slice3A_444 : vector<32x128xi16>
      %slice3A_446 = vector.extract_strided_slice %add3A_445 {offsets = [0, 0], sizes = [16, 128], strides = [1, 1]} : vector<32x128xi16> to vector<16x128xi16>
      %slice3A_447 = vector.extract_strided_slice %add3A_445 {offsets = [16, 0], sizes = [16, 128], strides = [1, 1]} : vector<32x128xi16> to vector<16x128xi16>
      %add3A_448 = arith.addi %slice3A_446, %slice3A_447 : vector<16x128xi16>
      %slice3A_449 = vector.extract_strided_slice %add3A_448 {offsets = [0, 0], sizes = [8, 128], strides = [1, 1]} : vector<16x128xi16> to vector<8x128xi16>
      %slice3A_450 = vector.extract_strided_slice %add3A_448 {offsets = [8, 0], sizes = [8, 128], strides = [1, 1]} : vector<16x128xi16> to vector<8x128xi16>
      %add3A_451 = arith.addi %slice3A_449, %slice3A_450 : vector<8x128xi16>
      %slice3A_452 = vector.extract_strided_slice %add3A_451 {offsets = [0, 0], sizes = [4, 128], strides = [1, 1]} : vector<8x128xi16> to vector<4x128xi16>
      %slice3A_453 = vector.extract_strided_slice %add3A_451 {offsets = [4, 0], sizes = [4, 128], strides = [1, 1]} : vector<8x128xi16> to vector<4x128xi16>
      %add3A_454 = arith.addi %slice3A_452, %slice3A_453 : vector<4x128xi16>
      %slice3A_455 = vector.extract_strided_slice %add3A_454 {offsets = [0, 0], sizes = [2, 128], strides = [1, 1]} : vector<4x128xi16> to vector<2x128xi16>
      %slice3A_456 = vector.extract_strided_slice %add3A_454 {offsets = [2, 0], sizes = [2, 128], strides = [1, 1]} : vector<4x128xi16> to vector<2x128xi16>
      %add3A_457 = arith.addi %slice3A_455, %slice3A_456 : vector<2x128xi16>
      %slice3A_458 = vector.extract_strided_slice %add3A_457 {offsets = [0, 0], sizes = [1, 128], strides = [1, 1]} : vector<2x128xi16> to vector<1x128xi16>
      %slice3A_459 = vector.extract_strided_slice %add3A_457 {offsets = [1, 0], sizes = [1, 128], strides = [1, 1]} : vector<2x128xi16> to vector<1x128xi16>
      %add3A_460 = arith.addi %slice3A_458, %slice3A_459 : vector<1x128xi16>
      %convert_element_type3A_461 = arith.extsi %add3A_460 : vector<1x128xi16> to vector<1x128xi32>
      %reduce_sum3A_462 = vector.shape_cast %convert_element_type3A_461 : vector<1x128xi32> to vector<1x1x128xi32>
      %reduce_sum3A_463 = arith.constant dense<0> : vector<1xi32>
      %reduce_sum3A_464 = vector.multi_reduction <add>, %reduce_sum3A_462, %reduce_sum3A_463 [1, 2] : vector<1x1x128xi32> to vector<1xi32>
      %reduce_sum3A_465 = vector.shape_cast %reduce_sum3A_464 : vector<1xi32> to vector<1x1x1xi32>
      %reduce_sum3A_466 = vector.extract %reduce_sum3A_465[0, 0, 0] : i32 from vector<1x1x1xi32>
      %ge3A_467 = arith.cmpi sge, %reduce_sum3A_466, %sub3A_179 : i32
      %select_n3A_468 = arith.select %ge3A_467, %or3A_431, %scan3A_425 : i32
      %convert_element_type3A_469 = arith.trunci %or3A_432 : i32 to i16
      %get3A_470 = arith.constant 0 : index
      %get3A_471 = arith.constant 0 : index
      %get3A_472 = vector.load %arg11[%get3A_470, %get3A_471] : memref<128x128xi16, #tpu.memory_space<vmem>>, vector<128x128xi16>
      %ge3A_473 = vector.broadcast %convert_element_type3A_469 : i16 to vector<128x128xi16>
      %ge3A_474 = arith.cmpi sge, %get3A_472, %ge3A_473 : vector<128x128xi16>
      %convert_element_type3A_475 = arith.extui %ge3A_474 : vector<128x128xi1> to vector<128x128xi16>
      %slice3A_476 = vector.extract_strided_slice %convert_element_type3A_475 {offsets = [0, 0], sizes = [64, 128], strides = [1, 1]} : vector<128x128xi16> to vector<64x128xi16>
      %slice3A_477 = vector.extract_strided_slice %convert_element_type3A_475 {offsets = [64, 0], sizes = [64, 128], strides = [1, 1]} : vector<128x128xi16> to vector<64x128xi16>
      %add3A_478 = arith.addi %slice3A_476, %slice3A_477 : vector<64x128xi16>
      %slice3A_479 = vector.extract_strided_slice %add3A_478 {offsets = [0, 0], sizes = [32, 128], strides = [1, 1]} : vector<64x128xi16> to vector<32x128xi16>
      %slice3A_480 = vector.extract_strided_slice %add3A_478 {offsets = [32, 0], sizes = [32, 128], strides = [1, 1]} : vector<64x128xi16> to vector<32x128xi16>
      %add3A_481 = arith.addi %slice3A_479, %slice3A_480 : vector<32x128xi16>
      %slice3A_482 = vector.extract_strided_slice %add3A_481 {offsets = [0, 0], sizes = [16, 128], strides = [1, 1]} : vector<32x128xi16> to vector<16x128xi16>
      %slice3A_483 = vector.extract_strided_slice %add3A_481 {offsets = [16, 0], sizes = [16, 128], strides = [1, 1]} : vector<32x128xi16> to vector<16x128xi16>
      %add3A_484 = arith.addi %slice3A_482, %slice3A_483 : vector<16x128xi16>
      %slice3A_485 = vector.extract_strided_slice %add3A_484 {offsets = [0, 0], sizes = [8, 128], strides = [1, 1]} : vector<16x128xi16> to vector<8x128xi16>
      %slice3A_486 = vector.extract_strided_slice %add3A_484 {offsets = [8, 0], sizes = [8, 128], strides = [1, 1]} : vector<16x128xi16> to vector<8x128xi16>
      %add3A_487 = arith.addi %slice3A_485, %slice3A_486 : vector<8x128xi16>
      %slice3A_488 = vector.extract_strided_slice %add3A_487 {offsets = [0, 0], sizes = [4, 128], strides = [1, 1]} : vector<8x128xi16> to vector<4x128xi16>
      %slice3A_489 = vector.extract_strided_slice %add3A_487 {offsets = [4, 0], sizes = [4, 128], strides = [1, 1]} : vector<8x128xi16> to vector<4x128xi16>
      %add3A_490 = arith.addi %slice3A_488, %slice3A_489 : vector<4x128xi16>
      %slice3A_491 = vector.extract_strided_slice %add3A_490 {offsets = [0, 0], sizes = [2, 128], strides = [1, 1]} : vector<4x128xi16> to vector<2x128xi16>
      %slice3A_492 = vector.extract_strided_slice %add3A_490 {offsets = [2, 0], sizes = [2, 128], strides = [1, 1]} : vector<4x128xi16> to vector<2x128xi16>
      %add3A_493 = arith.addi %slice3A_491, %slice3A_492 : vector<2x128xi16>
      %slice3A_494 = vector.extract_strided_slice %add3A_493 {offsets = [0, 0], sizes = [1, 128], strides = [1, 1]} : vector<2x128xi16> to vector<1x128xi16>
      %slice3A_495 = vector.extract_strided_slice %add3A_493 {offsets = [1, 0], sizes = [1, 128], strides = [1, 1]} : vector<2x128xi16> to vector<1x128xi16>
      %add3A_496 = arith.addi %slice3A_494, %slice3A_495 : vector<1x128xi16>
      %convert_element_type3A_497 = arith.extsi %add3A_496 : vector<1x128xi16> to vector<1x128xi32>
      %reduce_sum3A_498 = vector.shape_cast %convert_element_type3A_497 : vector<1x128xi32> to vector<1x1x128xi32>
      %reduce_sum3A_499 = arith.constant dense<0> : vector<1xi32>
      %reduce_sum3A_500 = vector.multi_reduction <add>, %reduce_sum3A_498, %reduce_sum3A_499 [1, 2] : vector<1x1x128xi32> to vector<1xi32>
      %reduce_sum3A_501 = vector.shape_cast %reduce_sum3A_500 : vector<1xi32> to vector<1x1x1xi32>
      %reduce_sum3A_502 = vector.extract %reduce_sum3A_501[0, 0, 0] : i32 from vector<1x1x1xi32>
      %ge3A_503 = arith.cmpi sge, %reduce_sum3A_502, %sub3A_217 : i32
      %select_n3A_504 = arith.select %ge3A_503, %or3A_432, %scan3A_426 : i32
      scf.yield %select_n3A_468, %select_n3A_504 : i32, i32
    }
    %scan3A_327 = arith.constant 15 : i32
    %shift_left3A = arith.constant 16 : i32
    %shift_left3A_328 = arith.shli %scan3A_141#0, %shift_left3A : i32
    %xor3A_329 = arith.constant 32768 : i32
    %xor3A_330 = arith.xori %scan3A_326#0, %xor3A_329 : i32
    %and3A_331 = arith.constant 65535 : i32
    %and3A_332 = arith.andi %xor3A_330, %and3A_331 : i32
    %or3A = arith.ori %shift_left3A_328, %and3A_332 : i32
    %shift_left3A_333 = arith.constant 16 : i32
    %shift_left3A_334 = arith.shli %scan3A_141#1, %shift_left3A_333 : i32
    %xor3A_335 = arith.constant 32768 : i32
    %xor3A_336 = arith.xori %scan3A_326#1, %xor3A_335 : i32
    %and3A_337 = arith.constant 65535 : i32
    %and3A_338 = arith.andi %xor3A_336, %and3A_337 : i32
    %or3A_339 = arith.ori %shift_left3A_334, %and3A_338 : i32
    %get3A_340 = arith.constant 0 : index
    %get3A_341 = arith.constant 0 : index
    %get3A_342 = arith.constant 0 : index
    %get3A_343 = vector.load %arg5[%get3A_340, %get3A_341, %get3A_342] : memref<1x1x128xf32, #tpu.memory_space<vmem>>, vector<1x1x128xf32>
    %get3A_344 = vector.shape_cast %get3A_343 : vector<1x1x128xf32> to vector<1x128xf32>
    %bitcast_convert_type3A_345 = tpu.bitcast %get3A_344 : vector<1x128xf32> -> vector<1x128xi32>
    %lt3A_346 = arith.constant 0 : i32
    %lt3A_347 = vector.broadcast %lt3A_346 : i32 to vector<1x128xi32>
    %lt3A_348 = arith.cmpi slt, %bitcast_convert_type3A_345, %lt3A_347 : vector<1x128xi32>
    %xor3A_349 = arith.constant 2147483647 : i32
    %xor3A_350 = vector.broadcast %xor3A_349 : i32 to vector<1x128xi32>
    %xor3A_351 = arith.xori %bitcast_convert_type3A_345, %xor3A_350 : vector<1x128xi32>
    %select_n3A_352 = arith.select %lt3A_348, %xor3A_351, %bitcast_convert_type3A_345 : vector<1x128xi1>, vector<1x128xi32>
    %ge3A_353 = vector.broadcast %or3A : i32 to vector<1x128xi32>
    %ge3A_354 = arith.cmpi sge, %select_n3A_352, %ge3A_353 : vector<1x128xi32>
    %convert_element_type3A_355 = arith.extui %ge3A_354 : vector<1x128xi1> to vector<1x128xi32>
    %convert_element_type3A_356 = arith.sitofp %convert_element_type3A_355 : vector<1x128xi32> to vector<1x128xf32>
    %reduce_sum3A_357 = vector.shape_cast %convert_element_type3A_356 : vector<1x128xf32> to vector<1x1x128xf32>
    %reduce_sum3A_358 = arith.constant dense<0.000000e+00> : vector<1xf32>
    %reduce_sum3A_359 = vector.multi_reduction <add>, %reduce_sum3A_357, %reduce_sum3A_358 [1, 2] : vector<1x1x128xf32> to vector<1xf32>
    %reduce_sum3A_360 = vector.shape_cast %reduce_sum3A_359 : vector<1xf32> to vector<1x1x1xf32>
    %reduce_sum3A_361 = vector.extract %reduce_sum3A_360[0, 0, 0] : f32 from vector<1x1x1xf32>
    %max3A = arith.constant 1.000000e-03 : f32
    %max3A_362 = arith.maximumf %reduce_sum3A_361, %max3A : f32
    %max3A_363 = arith.constant 0.000000e+00 : f32
    %max3A_364 = vector.broadcast %max3A_363 : f32 to vector<1x128xf32>
    %max3A_365 = arith.maximumf %get3A_344, %max3A_364 : vector<1x128xf32>
    %mul3A = arith.mulf %convert_element_type3A_356, %max3A_365 : vector<1x128xf32>
    %reduce_sum3A_366 = vector.shape_cast %mul3A : vector<1x128xf32> to vector<1x1x128xf32>
    %reduce_sum3A_367 = arith.constant dense<0.000000e+00> : vector<1xf32>
    %reduce_sum3A_368 = vector.multi_reduction <add>, %reduce_sum3A_366, %reduce_sum3A_367 [1, 2] : vector<1x1x128xf32> to vector<1xf32>
    %reduce_sum3A_369 = vector.shape_cast %reduce_sum3A_368 : vector<1xf32> to vector<1x1x1xf32>
    %reduce_sum3A_370 = vector.extract %reduce_sum3A_369[0, 0, 0] : f32 from vector<1x1x1xf32>
    %div3A = arith.divf %reduce_sum3A_370, %max3A_362 : f32
    %get3A_371 = arith.constant 0 : index
    %get3A_372 = arith.constant 0 : index
    %get3A_373 = arith.constant 0 : index
    %get3A_374 = vector.load %arg6[%get3A_371, %get3A_372, %get3A_373] : memref<1x1x128xf32, #tpu.memory_space<vmem>>, vector<1x1x128xf32>
    %get3A_375 = vector.shape_cast %get3A_374 : vector<1x1x128xf32> to vector<1x128xf32>
    %bitcast_convert_type3A_376 = tpu.bitcast %get3A_375 : vector<1x128xf32> -> vector<1x128xi32>
    %lt3A_377 = arith.constant 0 : i32
    %lt3A_378 = vector.broadcast %lt3A_377 : i32 to vector<1x128xi32>
    %lt3A_379 = arith.cmpi slt, %bitcast_convert_type3A_376, %lt3A_378 : vector<1x128xi32>
    %xor3A_380 = arith.constant 2147483647 : i32
    %xor3A_381 = vector.broadcast %xor3A_380 : i32 to vector<1x128xi32>
    %xor3A_382 = arith.xori %bitcast_convert_type3A_376, %xor3A_381 : vector<1x128xi32>
    %select_n3A_383 = arith.select %lt3A_379, %xor3A_382, %bitcast_convert_type3A_376 : vector<1x128xi1>, vector<1x128xi32>
    %ge3A_384 = vector.broadcast %or3A_339 : i32 to vector<1x128xi32>
    %ge3A_385 = arith.cmpi sge, %select_n3A_383, %ge3A_384 : vector<1x128xi32>
    %convert_element_type3A_386 = arith.extui %ge3A_385 : vector<1x128xi1> to vector<1x128xi32>
    %convert_element_type3A_387 = arith.sitofp %convert_element_type3A_386 : vector<1x128xi32> to vector<1x128xf32>
    %reduce_sum3A_388 = vector.shape_cast %convert_element_type3A_387 : vector<1x128xf32> to vector<1x1x128xf32>
    %reduce_sum3A_389 = arith.constant dense<0.000000e+00> : vector<1xf32>
    %reduce_sum3A_390 = vector.multi_reduction <add>, %reduce_sum3A_388, %reduce_sum3A_389 [1, 2] : vector<1x1x128xf32> to vector<1xf32>
    %reduce_sum3A_391 = vector.shape_cast %reduce_sum3A_390 : vector<1xf32> to vector<1x1x1xf32>
    %reduce_sum3A_392 = vector.extract %reduce_sum3A_391[0, 0, 0] : f32 from vector<1x1x1xf32>
    %max3A_393 = arith.constant 1.000000e-03 : f32
    %max3A_394 = arith.maximumf %reduce_sum3A_392, %max3A_393 : f32
    %max3A_395 = arith.constant 0.000000e+00 : f32
    %max3A_396 = vector.broadcast %max3A_395 : f32 to vector<1x128xf32>
    %max3A_397 = arith.maximumf %get3A_375, %max3A_396 : vector<1x128xf32>
    %mul3A_398 = arith.mulf %convert_element_type3A_387, %max3A_397 : vector<1x128xf32>
    %reduce_sum3A_399 = vector.shape_cast %mul3A_398 : vector<1x128xf32> to vector<1x1x128xf32>
    %reduce_sum3A_400 = arith.constant dense<0.000000e+00> : vector<1xf32>
    %reduce_sum3A_401 = vector.multi_reduction <add>, %reduce_sum3A_399, %reduce_sum3A_400 [1, 2] : vector<1x1x128xf32> to vector<1xf32>
    %reduce_sum3A_402 = vector.shape_cast %reduce_sum3A_401 : vector<1xf32> to vector<1x1x1xf32>
    %reduce_sum3A_403 = vector.extract %reduce_sum3A_402[0, 0, 0] : f32 from vector<1x1x1xf32>
    %div3A_404 = arith.divf %reduce_sum3A_403, %max3A_394 : f32
    %sub3A_405 = arith.subf %div3A_404, %div3A : f32
    %max3A_406 = arith.constant 0.000000e+00 : f32
    %max3A_407 = arith.maximumf %sub3A_405, %max3A_406 : f32
    %abs3A = math.absf %sub3A_405 : f32
    %neg3A = arith.constant 0.000000e+00 : f32
    %neg3A_408 = arith.subf %neg3A, %abs3A : f32
    %exp3A = math.exp %neg3A_408 : f32
    %log1p3A = math.log1p %exp3A : f32
    %add3A_409 = arith.addf %max3A_407, %log1p3A : f32
    %eq3A_410 = arith.constant 0 : i32
    %eq3A_411 = arith.cmpi eq, %arg0, %eq3A_410 : i32
    %convert_element_type3A_412 = arith.extui %eq3A_411 : i1 to i32
    %cond3A = arith.constant 0 : i32
    %cond3A_413 = arith.cmpi ne, %convert_element_type3A_412, %cond3A : i32
    scf.if %cond3A_413 {
      %broadcast_in_dim3A_424 = arith.constant 0.000000e+00 : f32
      %broadcast_in_dim3A_425 = vector.broadcast %broadcast_in_dim3A_424 : f32 to vector<8x128xf32>
      %swap3A_426 = arith.constant 0 : index
      %swap3A_427 = arith.constant 0 : index
      %swap3A_428 = vector.load %arg7[%swap3A_426, %swap3A_427] : memref<8x128xf32, #tpu.memory_space<vmem>>, vector<8x128xf32>
      tpu.vector_store %arg7[%swap3A_426, %swap3A_427], %broadcast_in_dim3A_425 {strides = array<i32>} : memref<8x128xf32, #tpu.memory_space<vmem>>, vector<8x128xf32>,
    } else {
    }
    %get3A_414 = arith.constant 0 : index
    %get3A_415 = arith.constant 0 : index
    %get3A_416 = vector.load %arg7[%get3A_414, %get3A_415] : memref<8x128xf32, #tpu.memory_space<vmem>>, vector<8x128xf32>
    %div3A_417 = arith.constant 1.600000e+01 : f32
    %div3A_418 = arith.divf %add3A_409, %div3A_417 : f32
    %add3A_419 = vector.broadcast %div3A_418 : f32 to vector<8x128xf32>
    %add3A_420 = arith.addf %get3A_416, %add3A_419 : vector<8x128xf32>
    %swap3A_421 = arith.constant 0 : index
    %swap3A_422 = arith.constant 0 : index
    %swap3A_423 = vector.load %arg7[%swap3A_421, %swap3A_422] : memref<8x128xf32, #tpu.memory_space<vmem>>, vector<8x128xf32>
    tpu.vector_store %arg7[%swap3A_421, %swap3A_422], %add3A_420 {strides = array<i32>} : memref<8x128xf32, #tpu.memory_space<vmem>>, vector<8x128xf32>,
    return
  }
  func.func @transform_0(%arg0: i32) -> (i32, i32, i32) {
    %c0_i32 = arith.constant 0 : i32
    %c0_i32_0 = arith.constant 0 : i32
    %c0_i32_1 = arith.constant 0 : i32
    return %arg0, %c0_i32, %c0_i32_0 : i32, i32, i32
  }
  func.func @transform_1(%arg0: i32) -> (i32, i32, i32) {
    %c0_i32 = arith.constant 0 : i32
    %c0_i32_0 = arith.constant 0 : i32
    %c0_i32_1 = arith.constant 0 : i32
    return %arg0, %c0_i32, %c0_i32_0 : i32, i32, i32
  }
  func.func @transform_2(%arg0: i32) -> (i32, i32, i32) {
    %c0_i32 = arith.constant 0 : i32
    %c0_i32_0 = arith.constant 0 : i32
    %c0_i32_1 = arith.constant 0 : i32
    return %arg0, %c0_i32, %c0_i32_0 : i32, i32, i32
  }
  func.func @transform_3(%arg0: i32) -> (i32, i32, i32) {
    %c0_i32 = arith.constant 0 : i32
    %c0_i32_0 = arith.constant 0 : i32
    %c0_i32_1 = arith.constant 0 : i32
    return %arg0, %c0_i32, %c0_i32_0 : i32, i32, i32
  }
  func.func @transform_4(%arg0: i32) -> (i32, i32, i32) {
    %c0_i32 = arith.constant 0 : i32
    %c0_i32_0 = arith.constant 0 : i32
    %c0_i32_1 = arith.constant 0 : i32
    return %arg0, %c0_i32, %c0_i32_0 : i32, i32, i32
  }
  func.func @transform_5(%arg0: i32) -> (i32, i32, i32) {
    %c0_i32 = arith.constant 0 : i32
    %c0_i32_0 = arith.constant 0 : i32
    %c0_i32_1 = arith.constant 0 : i32
    return %arg0, %c0_i32, %c0_i32_0 : i32, i32, i32
  }
  func.func @transform_6(%arg0: i32) -> (i32, i32) {
    %c0_i32 = arith.constant 0 : i32
    %c0_i32_0 = arith.constant 0 : i32
    %c0_i32_1 = arith.constant 0 : i32
    return %c0_i32, %c0_i32_0 : i32, i32
  }
}

</mosaic_0001>

<sc_bundles>
// kernel: gather_offload_async_start.1
scs
__scs_entry_jumppad:
0x0: {  	(pc) =	sbr.rel $0x88, $3  }
0x1: {  	(tag) =	ssettag $0x0;
	lr =	simm.s32 $0x1  }
0x2: {  	[smem:$0x3F9E] =	sst lr;
	_ =	strace $0xD0000000  }
0x3: {  	_ = 	snop  }
0x4: {  	_ = 	snop  }
0x5: {  	_ = 	snop  }
0x6: {  	_ = 	snop  }
0x7: {  	_ = 	snop  }
__scs_overlays_trampoline_lowered:
0x8: {  	[smem:$0x3FAD] =	sst s0  }
0x9: {  	[smem:$0x3FAE] =	sst s1  }
0xa: {  	[smem:$0x3FAF] =	sst s2  }
0xb: {  	[smem:$0x3FB0] =	sst s3  }
0xc: {  	[smem:$0x3FB1] =	sst s4  }
0xd: {  	[smem:$0x3FB2] =	sst s5  }
0xe: {  	[smem:$0x3FB3] =	sst s6  }
0xf: {  	[smem:$0x3FB4] =	sst s7  }
0x10: {  	[smem:$0x3FB5] =	sst s8  }
0x11: {  	[smem:$0x3FB6] =	sst s9;
	s0 =	simm.s32 @!p0 $0x0  }
0x12: {  	s1 =	sld [smem:$0x3F9C];
	s0 =	simm.s32 @p0 $0x1  }
0x13: {  	[smem:$0x3FB7] =	sst s0;
	s0 =	simm.s32 @!p1 $0x0  }
0x14: {  	s2 =	sld [smem:$0x3F9B];
	s0 =	simm.s32 @p1 $0x1  }
0x15: {  	[smem:$0x3FB8] =	sst s0;
	s0 =	simm.s32 @!p2 $0x0  }
0x16: {  	s3 =	sld [smem:$0x3FDB];
	s0 =	simm.s32 @p2 $0x1  }
0x17: {  	s4 =	simm.s32 $0x1BF5;
	[smem:$0x3FBA] =	sst s0  }
0x18: {  	s0 =	sld [smem:$0x3F9D];
	_ =	swait.ge [sflag:s4], $0x0  }
0x19: {  	s7 =	sld [smem:$0x3F9E]  }
0x1a: {  	s8 =	sadd.s32 $0xFFFFE003, lr  }
0x1b: {  	s9 =	sadd.s32 $0xFFFFFEF7, lr;
	s5 =	simm.s32 $0xFFFFFFFF;
	p2 =	slt.u32 s8, $0xFFFFF086  }
0x1c: {  	p1 =	slt.u32 s9, $0xF7A;
	s5 =	simm.s32 @!p2 $0x0  }
0x1d: {  	s5 =	simm.s32 @p1 $0x1;
	p0 =	seq.s32 s7, s2  }
0x1e: {  	s7 =	smul.u32 @!p0 $0xF7A, s2;
	p2 =	seq.s32 @!p0 s5, $0x0  }
0x1f: {  	s9 =	smul.u32 $0xF7A, s1;
	s8 =	simm.s32 @!p0 $0x1BF5;
	p2 =	por !p2, p0  }
0x20: {  	[sflag:s8] =	ssyncset.s32 @!p0 $0xFFFFF086;
	s6 =	sadd.s32 @!p0 s3, s7;
	s7 =	simm.s32 @!p0 $0x108  }
0x21: {  	s3 =	sadd.s32 s3, s9;
	s6 =	sadd.s32 @!p0 $0x88, s6;
	s7 =	simm.s32 @p2 $0x1082  }
0x22: {  	[simem:s7], [sflag:s8] =	dma.local @!p0 [hbm:s6], $0xF7A  }
0x23: {  	s9 =	sor.u32 $0xD0000000, s2;
	s6 =	simm.s32 $0x108;
	_ =	swait.ge @!p0 [sflag:s8], $0x0  }
0x24: {  	s3 =	sadd.s32 $0x88, s3;
	s6 =	simm.s32 @!p1 $0x1082;
	[sflag:s4] =	ssyncset.s32 $0xFFFFF086  }
0x25: {  	[simem:s6], [sflag:s4] =	dma.local [hbm:s3], $0xF7A  }
0x26: {  	[smem:$0x3F9E] =	sst s1;
	(tag) =	ssettag s2;
	_ =	strace s9  }
0x27: {  	s1 =	sld [smem:$0x3FAE]  }
0x28: {  	s2 =	sld [smem:$0x3FAF]  }
0x29: {  	s4 =	sld [smem:$0x3FB1]  }
0x2a: {  	p0 =	seq.s32 s5, $0x0;
	s5 =	sld [smem:$0x3FB2]  }
0x2b: {  	s6 =	sld [smem:$0x3FB3]  }
0x2c: {  	s7 =	sld [smem:$0x3FB4]  }
0x2d: {  	s3 =	simm.s32 $0x108;
	s8 =	sld [smem:$0x3FB5]  }
0x2e: {  	s3 =	simm.s32 @!p0 $0x1082;
	s9 =	sld [smem:$0x3FB6]  }
0x2f: {  	lr =	sadd.s32 s0, s3;
	s0 =	sld [smem:$0x3FAD]  }
0x30: {  	s3 =	sld [smem:$0x3FB0]  }
0x31: {  	[smem:$0x3FB9] =	sst s10  }
0x32: {  	s10 =	sld [smem:$0x3FB7];
	_ =	sdelay $0x3  }
0x33: {  	p0 =	seq.s32 s10, $0x1;
	s10 =	sld [smem:$0x3FB9];
	_ =	sdelay $0x3  }
0x34: {  	[smem:$0x3FB9] =	sst s10  }
0x35: {  	s10 =	sld [smem:$0x3FB8];
	_ =	sdelay $0x3  }
0x36: {  	p1 =	seq.s32 s10, $0x1;
	s10 =	sld [smem:$0x3FB9];
	_ =	sdelay $0x3  }
0x37: {  	[smem:$0x3FB9] =	sst s10  }
0x38: {  	s10 =	sld [smem:$0x3FBA]  }
0x39: {  	_ = 	snop;
	(pc) =	sbr.ind lr, $3  }
0x3a: {  	_ = 	snop  }
0x3b: {  	_ = 	snop  }
0x3c: {  	p2 =	seq.s32 s10, $0x1;
	s10 =	sld [smem:$0x3FB9]  }
0x3d: {  	_ =	shalt  }
0x3e: {  	_ =	shalt  }
0x3f: {  	_ =	shalt  }
0x40: {  	_ =	shalt  }
0x41: {  	_ =	shalt  }
0x42: {  	_ =	shalt  }
0x43: {  	_ =	shalt  }
0x44: {  	_ =	shalt  }
0x45: {  	_ =	shalt  }
0x46: {  	_ =	shalt  }
0x47: {  	_ =	shalt  }
0x48: {  	_ =	shalt  }
0x49: {  	_ =	shalt  }
0x4a: {  	_ =	shalt  }
0x4b: {  	_ =	shalt  }
0x4c: {  	_ =	shalt  }
0x4d: {  	_ =	shalt  }
0x4e: {  	_ =	shalt  }
0x4f: {  	_ =	shalt  }
0x50: {  	_ =	shalt  }
0x51: {  	_ =	shalt  }
0x52: {  	_ =	shalt  }
0x53: {  	_ =	shalt  }
0x54: {  	_ =	shalt  }
0x55: {  	_ =	shalt  }
0x56: {  	_ =	shalt  }
0x57: {  	_ =	shalt  }
0x58: {  	_ =	shalt  }
0x59: {  	_ =	shalt  }
0x5a: {  	_ =	shalt  }
0x5b: {  	_ =	shalt  }
0x5c: {  	_ =	shalt  }
0x5d: {  	_ =	shalt  }
0x5e: {  	_ =	shalt  }
0x5f: {  	_ =	shalt  }
0x60: {  	_ =	shalt  }
0x61: {  	_ =	shalt  }
0x62: {  	_ =	shalt  }
0x63: {  	_ =	shalt  }
0x64: {  	_ =	shalt  }
0x65: {  	_ =	shalt  }
0x66: {  	_ =	shalt  }
0x67: {  	_ =	shalt  }
0x68: {  	_ =	shalt  }
0x69: {  	_ =	shalt  }
0x6a: {  	_ =	shalt  }
0x6b: {  	_ =	shalt  }
0x6c: {  	_ =	shalt  }
0x6d: {  	_ =	shalt  }
0x6e: {  	_ =	shalt  }
0x6f: {  	_ =	shalt  }
0x70: {  	_ =	shalt  }
0x71: {  	_ =	shalt  }
0x72: {  	_ =	shalt  }
0x73: {  	_ =	shalt  }
0x74: {  	_ =	shalt  }
0x75: {  	_ =	shalt  }
0x76: {  	_ =	shalt  }
0x77: {  	_ =	shalt  }
0x78: {  	_ =	shalt  }
0x79: {  	_ =	shalt  }
0x7a: {  	_ =	shalt  }
0x7b: {  	_ =	shalt  }
0x7c: {  	_ =	shalt  }
0x7d: {  	_ =	shalt  }
0x7e: {  	_ =	shalt  }
0x7f: {  	_ =	shalt  }
0x80: {  	_ =	shalt  }
0x81: {  	_ =	shalt  }
0x82: {  	_ =	shalt  }
0x83: {  	_ =	shalt  }
0x84: {  	_ =	shalt  }
0x85: {  	_ =	shalt  }
0x86: {  	_ =	shalt  }
0x87: {  	_ =	shalt  }
.Lfunc_end0:
.L_simem_size_0:
called_computation.1_lowered:
.L_overlay_start_0:
0x88: {  	s2 =	sld [smem:$0x3FD9]  }
0x89: {  	s3 =	sld [smem:$0x3FFE];
	_ =	sdelay $0x1  }
0x8a: {  	s1 =	srdreg.scid  }
0x8b: {  	s0 =	sand.u32 $0x1, s1  }
0x8c: {  	s17 =	sshll.u32 s0, $0xA;
	s2 =	sadd.s32 s3, s2  }
0x8d: {  	s2 =	sadd.s32 s2, s17  }
0x8e: {  	[smem:$0x3FC5] =	sst s2  }
0x8f: {  	_ = 	snop  }
0x90: {  	(tm) =	ssettm $0x1  }
0x91: {  	s18 =	sld [smem:$0x3FFB];
	_ =	sdelay $0x3  }
0x92: {  	_ =	strace s18  }
0x93: {  	s2 =	sld [smem:$0x3FFC];
	_ =	sdelay $0x3  }
0x94: {  	_ =	strace s2  }
0x95: {  	s2 =	sld [smem:$0x3FFD];
	_ =	sdelay $0x3  }
0x96: {  	_ =	strace s2  }
0x97: {  	_ =	strace $0x8FFFFFFF  }
0x98: {  	s19 =	sld [smem:$0x3FDB];
	_ =	sdelay $0x1  }
0x99: {  	s20 =	simm.s32 $_scs_section_size  }
0x9a: {  	s4 =	simm.s32 $_size__tile_overlayer_lowered;
	s5 =	simm.s32 $_tile_overlayer_lowered  }
0x9b: {  	s6 =	simm.s32 $0x1BFF;
	s21 =	sshll.u32 s5, $0x1;
	s3 =	sadd.s32 s20, s19  }
0x9c: {  	s22 =	simm.s32 $0x0;
	s4 =	sshll.u32 s4, $0x1;
	s5 =	sadd.s32 s21, s3  }
0x9d: {  	[timem:s22], [sflag:s6] =	dma.local [hbm:s5], s4  }
0x9e: {  	_ =	swait.ge [sflag:s6], s4  }
0x9f: {  	s4 =	ssub.s32 $0x0, s4;
	[sflag:s6] =	ssyncset.done $0x0  }
0xa0: {  	[sflag:s6] =	ssyncadd.s32 s4;
	_ =	sdelay $0x1  }
0xa1: {  	s23 =	simm.s32 $0x1B8B  }
0xa2: {  	_ =	swait.ge [sflag:s23], $0x1  }
0xa3: {  	[sflag:s23] =	ssyncset.done $0x0  }
0xa4: {  	[sflag:s23] =	ssyncadd.s32 $0xFFFFFFFF  }
0xa5: {  	s4 =	sld [smem:$0x0]  }
0xa6: {  	s5 =	sand.u32 $0xFFFFFFFE, s1  }
0xa7: {  	p0 =	sne.s32 s1, s5  }
0xa8: {  	s5 =	sshll.u32 @p0 s5, $0xE  }
0xa9: {  	s5 =	sadd.s32 @p0 $0x11B8D, s5;
	s6 =	sshll.u32 @p0 s4, $0x11  }
0xaa: {  	s5 =	sor.u32 @p0 s6, s5  }
0xab: {  	[sflag:s5] =	ssyncadd.remote.s32 @p0 $0x1;
	_ =	sdelay $0x1  }
0xac: {  	s5 =	simm.s32 @p0 $0x1B8D  }
0xad: {  	_ =	swait.eq @p0 [sflag:s5], $0x1  }
0xae: {  	[sflag:s5] =	ssyncadd.s32 @p0 $0xFFFFFFFF  }
0xaf: {  	s6 =	sshll.u32 @!p0 s1, $0xE  }
0xb0: {  	s6 =	sor.u32 @!p0 $0x4000, s6;
	s5 =	simm.s32 @!p0 $0x1B8D  }
0xb1: {  	s4 =	sshll.u32 @!p0 s4, $0x11;
	s6 =	sadd.s32 @!p0 $0x11B8D, s6;
	_ =	swait.eq @!p0 [sflag:s5], $0x1  }
0xb2: {  	s4 =	sor.u32 @!p0 s4, s6;
	[sflag:s5] =	ssyncadd.s32 @!p0 $0xFFFFFFFF  }
0xb3: {  	s25 =	simm.s32 $0x1B8E;
	s24 =	sld [smem:$0x3FFE];
	[sflag:s4] =	ssyncadd.remote.s32 @!p0 $0x1  }
0xb4: {  	s26 =	simm.s32 $execute0_lowered;
	[smem:$0x3FD2] =	sst s25  }
0xb5: {  	s5 =	sshll.u32 s26, $0x1;
	_ =	strace $0x8000004C;
	[dreg:$0x1] =	wrdreg $0xFFFFFFFF  }
0xb6: {  	s28 =	simm.s32 $_size_execute0_lowered;
	s3 =	sadd.s32 s3, s5;
	[dreg:$0x0] =	wrdreg $0x0  }
0xb7: {  	s5 =	sshll.u32 s28, $0x1;
	[dreg:$0x2] =	wrdreg s3  }
0xb8: {  	[dreg:$0x3] =	wrdreg s5  }
0xb9: {  	[dreg:$0x4] =	wrdreg $0xC0  }
0xba: {  	_ =	task [dreg:s22], $0x5FFFF  }
0xbb: {  	[dreg:$0x1] =	wrdreg $0xFFFFFFFF  }
0xbc: {  	[dreg:$0x0] =	wrdreg $0x60  }
0xbd: {  	[dreg:$0x2] =	wrdreg s24  }
0xbe: {  	[dreg:$0x3] =	wrdreg $0xA  }
0xbf: {  	_ =	task.clear_ibuf [dreg:s22], $0x4FFFF;
	_ =	strace $0x9000004C  }
0xc0: {  	s29 =	simm.s32 $0xA;
	_ =	strace $0x8000004E  }
0xc1: {  	_ =	swait.ge [sflag:s29], $0x1  }
0xc2: {  	[sflag:s29] =	ssyncadd.s32 $0xFFFFFFFF  }
0xc3: {  	_ =	strace $0x9000004E  }
0xc4: {  	_ =	sfence  }
0xc5: {  	s30 =	sld [smem:$0x0];
	_ =	sdelay $0x2  }
0xc6: {  	s31 =	sshll.u32 s1, $0xD;
	s1 =	sshrl.u32 s1, $0x2  }
0xc7: {  	s4 =	sand.u32 $0x4000, s31;
	s1 =	sadd.s32 s1, s30  }
0xc8: {  	s0 =	sor.u32 s4, s0;
	s1 =	sshll.u32 s1, $0x11  }
0xc9: {  	s0 =	sor.u32 s1, s0  }
0xca: {  	s0 =	sadd.s32 $0x8F2B, s0  }
0xcb: {  	[sflag:s0] =	ssyncadd.remote.s32 $0x1  }
0xcc: {  	_ =	sfence.sel $0xFFFF  }
0xcd: {  	[dreg:$0x0] =	wrdreg $0xFFFFFFFF;
	(pc) =	sbr.abs _section_cstart, $3  }
0xce: {  	[dreg:$0x1] =	wrdreg $0xFFFFFFFF  }
0xcf: {  	_ =	task.clear_ibuf [dreg:s22], $0x2FFFF;
	_ =	strace $0x9FFFFFFF  }
0xd0: {  	(tm) =	ssettm $0x7FFFFFFF  }
0xd1: {  	_ =	shalt  }
tec
execute0_lowered:
.L_overlay_start_1:
0x0: {  	(tag) =	ssettag $0x1  }
0x1: {  	s2 =	rddreg [dreg:$0x0]  }
0x2: {  	s0 =	rddreg [dreg:$0x1]  }
0x3: {  	s1 =	srdreg.scid;
	_ =	strace $0x8000004D;
	s4 =	simm.s32 $0x1  }
0x4: {  	s9 =	simm.s32 $0x3;
	s12 =	simm.s32 $0x0;
	s5 =	sshll.u32 s1, $0x4  }
.Ltmp0:
0x5: {  	s1 =	stileid.u32;
	s5 =	sand.u32 $0x10, s5;
	(pc) =	sbr.rel .LBB2_1-.Ltmp0, $4  }
0x6: {  	s10 =	simm.s32 $0x0;
	s3 =	sadd.s32 $0x120200, s2;
	s6 =	sor.u32 s1, s5  }
0x7: {  	[sflag:s4] =	ssyncpa.u1 $0x0;
	s5 =	simm.s32 $0x2;
	s6 =	sshll.u32 s6, $0x6  }
0x8: {  	s7 =	sadd.s32 $0x120600, s2;
	[sflag:s5] =	ssyncpa.u1 $0x0;
	s8 =	sadd.s32 $0x40, s6  }
0x9: {  	vm0 =	vmmov $0xff;
	vm1 =	vcmask $0x3F20;
	[sflag:s9] =	ssyncpa.u1 $0x0;
	s9 =	simm.s32 $0x40;
	s11 =	smov.u32 s6  }
.LBB2_9:
0xa: {  	p0 =	seq.s32 s10, $0x2  }
.Ltmp1:
0xb: {  	_ = 	snop;
	(pc) =	sbr.rel @p0 .LBB2_11-.Ltmp1, $1  }
0xc: {  	_ =	sdelay $0x3  }
.LBB2_10:
0xd: {  	s12 =	sadd.s32 $0x40, s11  }
0xe: {  	s13 =	smov.u32 s6;
	p0 =	slt.s32 s12, s8  }
0xf: {  	s13 =	smov.u32 @p0 s12  }
0x10: {  	s10 =	sadd.s32 $0x1, s10;
	s12 =	smov.u32 s11;
	s11 =	smov.u32 s13  }
.LBB2_1:
0x11: {  	p0 =	sne.s32 s10, $0x0  }
.Ltmp2:
0x12: {  	_ = 	snop;
	(pc) =	sbr.rel @!p0 .LBB2_2-.Ltmp2, $1  }
0x13: {  	_ =	sdelay $0x3  }
0x14: {  	s13 =	sand.u32 $0x1, s10  }
0x15: {  	p0 =	seq.s32 s13, $0x0  }
.Ltmp3:
0x16: {  	_ = 	snop;
	(pc) =	sbr.rel @p0 .LBB2_9-.Ltmp3, $1  }
0x17: {  	_ =	sdelay $0x3  }
0x18: {  	_ =	swait.ge [sflag:s5], $0x40  }
0x19: {  	[sflag:s5] =	ssyncset.done $0x0  }
0x1a: {  	s13 =	simm.s32 $0x0;
	[sflag:s5] =	ssyncadd.s32 $0xFFFFFFC0  }
0x1b: {  	v0 =	vld.msk [tilespmem:s13+$0x40 ss:$0x1], $0xffff;
	_ =	sdelay $0x4  }
0x1c: {  	v1 =	vshll.u32 v0, $0x3  }
0x1d: {  	vm2 =	veq.s32 v0, $0x80000000;
	v0 =	vshll.u32 v0, $0x10;
	v1 =	vand.u32 $0xFF80, v1  }
0x1e: {  	v0 =	vand.u32 $0xF0000, v0;
	v1 =	vsel vm2, $0xFFFFFF80, v1  }
0x1f: {  	v0 =	vsel vm2, $0xFFFF0000, v0;
	v2 =	vand.u32 $0xFFFFFC00, v1  }
0x20: {  	v1 =	vand.u32 $0x380, v1;
	v0 =	vadd.s32 v0, v2  }
0x21: {  	v0 =	vor.u32 v1, v0  }
0x22: {  	v0 =	vshrl.u32 v0, $0x3;
	_ =	sdelay $0x3  }
0x23: {  	s13 =	simm.s32 $0x2080  }
0x24: {  	[tilespmem:s13], [sflag:$0x1] =	stream.indirect_vreg.gather [hbm:s2], $0x80, v0, vm0, $0x38;
	[tilespmem:$0x4080] =	vst v63  }
0x25: {  	s14 =	simm.s32 $0x2480;
	s31 =	simm.s32 $0x10  }
0x26: {  	[tilespmem:s14], [sflag:$0x1] =	stream.indirect_vreg.gather [hbm:s2], $0x80, v0, vm1, $0x38;
	[tilespmem:$0x4080] =	vst v63  }
0x27: {  	s14 =	simm.s32 $0x80;
	v0 =	vld.msk [tilespmem:s31+$0x40 ss:$0x1], $0xffff  }
.LBB2_5:
0x28: {  	p0 =	sne.s32 s14, $0xC0;
	_ =	sdelay $0x4  }
0x29: {  	v1 =	vshll.u32 v0, $0x3  }
0x2a: {  	vm2 =	veq.s32 v0, $0x80000000;
	v0 =	vshll.u32 v0, $0x10;
	v1 =	vand.u32 $0xFF80, v1  }
0x2b: {  	v0 =	vand.u32 $0xF0000, v0;
	v1 =	vsel vm2, $0xFFFFFF80, v1  }
0x2c: {  	v0 =	vsel vm2, $0xFFFF0000, v0;
	v2 =	vand.u32 $0xFFFFFC00, v1  }
0x2d: {  	v1 =	vand.u32 $0x380, v1;
	v0 =	vadd.s32 v0, v2  }
0x2e: {  	v0 =	vor.u32 v1, v0  }
0x2f: {  	v0 =	vshrl.u32 v0, $0x3;
	_ =	sdelay $0x3  }
.Ltmp4:
0x30: {  	s13 =	sadd.s32 $0x800, s13;
	(pc) =	sbr.rel @p0 .LBB2_5-.Ltmp4, $4  }
0x31: {  	[tilespmem:s13], [sflag:$0x1] =	stream.indirect_vreg.gather [hbm:s2], $0x80, v0, vm0, $0x38;
	[tilespmem:$0x4080] =	vst v63  }
0x32: {  	s15 =	sshra.s32 s14, $0x2;
	s16 =	sadd.s32 $0x400, s13  }
0x33: {  	[tilespmem:s16], [sflag:$0x1] =	stream.indirect_vreg.gather [hbm:s2], $0x80, v0, vm1, $0x38;
	[tilespmem:$0x4080] =	vst v63  }
0x34: {  	s14 =	sadd.s32 $0x40, s14;
	v0 =	vld.msk [tilespmem:s15+$0x40 ss:$0x1], $0xffff  }
0x35: {  	_ =	sdelay $0x3  }
0x36: {  	v1 =	vshll.u32 v0, $0x3  }
0x37: {  	vm2 =	veq.s32 v0, $0x80000000;
	v63 =	vshll.u32 v0, $0x10;
	v1 =	vand.u32 $0xFF80, v1  }
0x38: {  	v0 =	vand.u32 $0xF0000, v63;
	v1 =	vsel vm2, $0xFFFFFF80, v1  }
0x39: {  	v0 =	vsel vm2, $0xFFFF0000, v0;
	v2 =	vand.u32 $0xFFFFFC00, v1  }
0x3a: {  	v1 =	vand.u32 $0x380, v1;
	v0 =	vadd.s32 v0, v2  }
0x3b: {  	v0 =	vor.u32 v1, v0  }
0x3c: {  	v0 =	vshrl.u32 v0, $0x3;
	_ =	sdelay $0x3  }
0x3d: {  	s13 =	sadd.s32 $0x800, s13  }
0x3e: {  	[tilespmem:s13], [sflag:$0x1] =	stream.indirect_vreg.gather [hbm:s2], $0x80, v0, vm0, $0x38;
	[tilespmem:$0x4080] =	vst v63  }
0x3f: {  	s13 =	sadd.s32 $0x400, s13  }
0x40: {  	[tilespmem:s13], [sflag:$0x1] =	stream.indirect_vreg.gather [hbm:s2], $0x80, v0, vm1, $0x38;
	[tilespmem:$0x4080] =	vst v63  }
0x41: {  	s12 =	sshll.u32 s12, $0x4;
	s14 =	simm.s32 $0x80;
	_ =	swait.ge [sflag:s4], $0x2000  }
0x42: {  	s15 =	simm.s32 $0x2480;
	s12 =	sadd.s32 s12, s7;
	[sflag:s4] =	ssyncset.done $0x0  }
0x43: {  	s16 =	sadd.s32 $0x0, s12;
	s13 =	simm.s32 $0x2080;
	[sflag:s4] =	ssyncadd.s32 $0xFFFFE000  }
.LBB2_7:
0x44: {  	[hbm:s16] =	stream.linear.scatter [tilespmem:s13], [sflag:$0x3], $0x400, $0x38;
	[tilespmem:$0x4080] =	vst v63  }
0x45: {  	s16 =	smov.u32 s14;
	s13 =	smov.u32 s15;
	p0 =	sne.s32 s14, $0x380  }
.Ltmp5:
0x46: {  	s14 =	sadd.s32 $0x80, s14;
	(pc) =	sbr.rel @p0 .LBB2_7-.Ltmp5, $2  }
0x47: {  	_ =	sdelay $0x2  }
0x48: {  	s15 =	sadd.s32 $0x400, s15;
	s16 =	sadd.s32 s16, s12  }
.Ltmp6:
0x49: {  	(pc) =	sbr.rel .LBB2_9-.Ltmp6, $2  }
0x4a: {  	_ =	sdelay $0x2  }
0x4b: {  	[hbm:s16] =	stream.linear.scatter [tilespmem:s13], [sflag:$0x3], $0x400, $0x38;
	[tilespmem:$0x4080] =	vst v63  }
.LBB2_2:
.Ltmp7:
0x4c: {  	(pc) =	sbr.rel .LBB2_10-.Ltmp7, $4  }
0x4d: {  	_ = 	snop  }
0x4e: {  	s12 =	sshrl.u32 s11, $0x3  }
0x4f: {  	s13 =	sand.u32 $0x7, s11;
	s12 =	sadd.s32 s3, s12  }
0x50: {  	[tilespmem:s9], [sflag:$0x2] =	stream.linear.gather [hbm4b:s12+s13], $0x40, $0x38;
	[tilespmem:$0x4080] =	vst v63  }
.LBB2_11:
0x51: {  	s2 =	simm.s32 $0x3  }
0x52: {  	_ =	swait.ge [sflag:s2], $0x2000  }
0x53: {  	[sflag:s2] =	ssyncset.done $0x0  }
0x54: {  	[sflag:s2] =	ssyncadd.s32 $0xFFFFE000  }
0x55: {  	_ =	sfence.sel $0x180000  }
0x56: {  	s3 =	simm.s32 $0x2;
	[bflag:$0x0] =	sbarrier.arrive $0xFFFF  }
0x57: {  	[sflag:s3] =	ssyncpa.u1 $0x1  }
0x58: {  	s31 =	simm.s32 $0x1;
	[sflag:s2] =	ssyncpa.u1 $0x1  }
0x59: {  	[sflag:s31] =	ssyncpa.u1 $0x1  }
0x5a: {  	p0 =	sne.s32 s1, $0x0;
	_ =	strace $0x9000004D  }
0x5b: {  	s0 =	sadd.s32 @!p0 $0x100000, s0;
	[bflag:$0x2] =	sbarrier.arrive $0xFFFF  }
0x5c: {  	[sflag:s0] =	ssyncadd.tile.s32 @!p0 $0x1;
	_ =	shalt  }
.Lfunc_end2:
_tile_overlayer_lowered:
.L_overlay_start_2:
0x5d: {  	(tag) =	ssettag $0x2  }
0x5e: {  	s0 =	rddreg [dreg:$0x0];
	s2 =	stileid.u32  }
0x5f: {  	s1 =	rddreg [dreg:$0x1];
	p0 =	sne.s32 s2, $0x0  }
0x60: {  	s3 =	rddreg [dreg:$0x2];
	[bflag:$0x3] =	sbarrier.arrive $0xFFFF;
	s2 =	simm.s32 @!p0 $0x1C01  }
0x61: {  	[timem:s3], [sflag:s2] =	dma.local @!p0 [hbm:s0], s1  }
0x62: {  	s0 =	simm.s32 @!p0 $0x1  }
0x63: {  	_ =	swait.ge @!p0 [sflag:s0], s1  }
0x64: {  	s1 =	ssub.s32 @!p0 $0x0, s1;
	[sflag:s0] =	ssyncset.done @!p0 $0x0  }
0x65: {  	[sflag:s0] =	ssyncadd.s32 @!p0 s1  }
0x66: {  	[bflag:$0x3] =	sbarrier.arrive $0xFFFF  }
0x67: {  	_ =	shalt  }

// kernel: gather_offload_async_start.2
scs
__scs_entry_jumppad:
0x0: {  	(pc) =	sbr.rel $0x88, $3  }
0x1: {  	(tag) =	ssettag $0x0;
	lr =	simm.s32 $0x1  }
0x2: {  	[smem:$0x3F9E] =	sst lr;
	_ =	strace $0xD0000000  }
0x3: {  	_ = 	snop  }
0x4: {  	_ = 	snop  }
0x5: {  	_ = 	snop  }
0x6: {  	_ = 	snop  }
0x7: {  	_ = 	snop  }
__scs_overlays_trampoline_lowered:
0x8: {  	[smem:$0x3FAD] =	sst s0  }
0x9: {  	[smem:$0x3FAE] =	sst s1  }
0xa: {  	[smem:$0x3FAF] =	sst s2  }
0xb: {  	[smem:$0x3FB0] =	sst s3  }
0xc: {  	[smem:$0x3FB1] =	sst s4  }
0xd: {  	[smem:$0x3FB2] =	sst s5  }
0xe: {  	[smem:$0x3FB3] =	sst s6  }
0xf: {  	[smem:$0x3FB4] =	sst s7  }
0x10: {  	[smem:$0x3FB5] =	sst s8  }
0x11: {  	[smem:$0x3FB6] =	sst s9;
	s0 =	simm.s32 @!p0 $0x0  }
0x12: {  	s1 =	sld [smem:$0x3F9C];
	s0 =	simm.s32 @p0 $0x1  }
0x13: {  	[smem:$0x3FB7] =	sst s0;
	s0 =	simm.s32 @!p1 $0x0  }
0x14: {  	s2 =	sld [smem:$0x3F9B];
	s0 =	simm.s32 @p1 $0x1  }
0x15: {  	[smem:$0x3FB8] =	sst s0;
	s0 =	simm.s32 @!p2 $0x0  }
0x16: {  	s3 =	sld [smem:$0x3FDB];
	s0 =	simm.s32 @p2 $0x1  }
0x17: {  	s4 =	simm.s32 $0x1BF5;
	[smem:$0x3FBA] =	sst s0  }
0x18: {  	s0 =	sld [smem:$0x3F9D];
	_ =	swait.ge [sflag:s4], $0x0  }
0x19: {  	s7 =	sld [smem:$0x3F9E]  }
0x1a: {  	s8 =	sadd.s32 $0xFFFFE003, lr  }
0x1b: {  	s9 =	sadd.s32 $0xFFFFFEF7, lr;
	s5 =	simm.s32 $0xFFFFFFFF;
	p2 =	slt.u32 s8, $0xFFFFF086  }
0x1c: {  	p1 =	slt.u32 s9, $0xF7A;
	s5 =	simm.s32 @!p2 $0x0  }
0x1d: {  	s5 =	simm.s32 @p1 $0x1;
	p0 =	seq.s32 s7, s2  }
0x1e: {  	s7 =	smul.u32 @!p0 $0xF7A, s2;
	p2 =	seq.s32 @!p0 s5, $0x0  }
0x1f: {  	s9 =	smul.u32 $0xF7A, s1;
	s8 =	simm.s32 @!p0 $0x1BF5;
	p2 =	por !p2, p0  }
0x20: {  	[sflag:s8] =	ssyncset.s32 @!p0 $0xFFFFF086;
	s6 =	sadd.s32 @!p0 s3, s7;
	s7 =	simm.s32 @!p0 $0x108  }
0x21: {  	s3 =	sadd.s32 s3, s9;
	s6 =	sadd.s32 @!p0 $0x88, s6;
	s7 =	simm.s32 @p2 $0x1082  }
0x22: {  	[simem:s7], [sflag:s8] =	dma.local @!p0 [hbm:s6], $0xF7A  }
0x23: {  	s9 =	sor.u32 $0xD0000000, s2;
	s6 =	simm.s32 $0x108;
	_ =	swait.ge @!p0 [sflag:s8], $0x0  }
0x24: {  	s3 =	sadd.s32 $0x88, s3;
	s6 =	simm.s32 @!p1 $0x1082;
	[sflag:s4] =	ssyncset.s32 $0xFFFFF086  }
0x25: {  	[simem:s6], [sflag:s4] =	dma.local [hbm:s3], $0xF7A  }
0x26: {  	[smem:$0x3F9E] =	sst s1;
	(tag) =	ssettag s2;
	_ =	strace s9  }
0x27: {  	s1 =	sld [smem:$0x3FAE]  }
0x28: {  	s2 =	sld [smem:$0x3FAF]  }
0x29: {  	s4 =	sld [smem:$0x3FB1]  }
0x2a: {  	p0 =	seq.s32 s5, $0x0;
	s5 =	sld [smem:$0x3FB2]  }
0x2b: {  	s6 =	sld [smem:$0x3FB3]  }
0x2c: {  	s7 =	sld [smem:$0x3FB4]  }
0x2d: {  	s3 =	simm.s32 $0x108;
	s8 =	sld [smem:$0x3FB5]  }
0x2e: {  	s3 =	simm.s32 @!p0 $0x1082;
	s9 =	sld [smem:$0x3FB6]  }
0x2f: {  	lr =	sadd.s32 s0, s3;
	s0 =	sld [smem:$0x3FAD]  }
0x30: {  	s3 =	sld [smem:$0x3FB0]  }
0x31: {  	[smem:$0x3FB9] =	sst s10  }
0x32: {  	s10 =	sld [smem:$0x3FB7];
	_ =	sdelay $0x3  }
0x33: {  	p0 =	seq.s32 s10, $0x1;
	s10 =	sld [smem:$0x3FB9];
	_ =	sdelay $0x3  }
0x34: {  	[smem:$0x3FB9] =	sst s10  }
0x35: {  	s10 =	sld [smem:$0x3FB8];
	_ =	sdelay $0x3  }
0x36: {  	p1 =	seq.s32 s10, $0x1;
	s10 =	sld [smem:$0x3FB9];
	_ =	sdelay $0x3  }
0x37: {  	[smem:$0x3FB9] =	sst s10  }
0x38: {  	s10 =	sld [smem:$0x3FBA]  }
0x39: {  	_ = 	snop;
	(pc) =	sbr.ind lr, $3  }
0x3a: {  	_ = 	snop  }
0x3b: {  	_ = 	snop  }
0x3c: {  	p2 =	seq.s32 s10, $0x1;
	s10 =	sld [smem:$0x3FB9]  }
0x3d: {  	_ =	shalt  }
0x3e: {  	_ =	shalt  }
0x3f: {  	_ =	shalt  }
0x40: {  	_ =	shalt  }
0x41: {  	_ =	shalt  }
0x42: {  	_ =	shalt  }
0x43: {  	_ =	shalt  }
0x44: {  	_ =	shalt  }
0x45: {  	_ =	shalt  }
0x46: {  	_ =	shalt  }
0x47: {  	_ =	shalt  }
0x48: {  	_ =	shalt  }
0x49: {  	_ =	shalt  }
0x4a: {  	_ =	shalt  }
0x4b: {  	_ =	shalt  }
0x4c: {  	_ =	shalt  }
0x4d: {  	_ =	shalt  }
0x4e: {  	_ =	shalt  }
0x4f: {  	_ =	shalt  }
0x50: {  	_ =	shalt  }
0x51: {  	_ =	shalt  }
0x52: {  	_ =	shalt  }
0x53: {  	_ =	shalt  }
0x54: {  	_ =	shalt  }
0x55: {  	_ =	shalt  }
0x56: {  	_ =	shalt  }
0x57: {  	_ =	shalt  }
0x58: {  	_ =	shalt  }
0x59: {  	_ =	shalt  }
0x5a: {  	_ =	shalt  }
0x5b: {  	_ =	shalt  }
0x5c: {  	_ =	shalt  }
0x5d: {  	_ =	shalt  }
0x5e: {  	_ =	shalt  }
0x5f: {  	_ =	shalt  }
0x60: {  	_ =	shalt  }
0x61: {  	_ =	shalt  }
0x62: {  	_ =	shalt  }
0x63: {  	_ =	shalt  }
0x64: {  	_ =	shalt  }
0x65: {  	_ =	shalt  }
0x66: {  	_ =	shalt  }
0x67: {  	_ =	shalt  }
0x68: {  	_ =	shalt  }
0x69: {  	_ =	shalt  }
0x6a: {  	_ =	shalt  }
0x6b: {  	_ =	shalt  }
0x6c: {  	_ =	shalt  }
0x6d: {  	_ =	shalt  }
0x6e: {  	_ =	shalt  }
0x6f: {  	_ =	shalt  }
0x70: {  	_ =	shalt  }
0x71: {  	_ =	shalt  }
0x72: {  	_ =	shalt  }
0x73: {  	_ =	shalt  }
0x74: {  	_ =	shalt  }
0x75: {  	_ =	shalt  }
0x76: {  	_ =	shalt  }
0x77: {  	_ =	shalt  }
0x78: {  	_ =	shalt  }
0x79: {  	_ =	shalt  }
0x7a: {  	_ =	shalt  }
0x7b: {  	_ =	shalt  }
0x7c: {  	_ =	shalt  }
0x7d: {  	_ =	shalt  }
0x7e: {  	_ =	shalt  }
0x7f: {  	_ =	shalt  }
0x80: {  	_ =	shalt  }
0x81: {  	_ =	shalt  }
0x82: {  	_ =	shalt  }
0x83: {  	_ =	shalt  }
0x84: {  	_ =	shalt  }
0x85: {  	_ =	shalt  }
0x86: {  	_ =	shalt  }
0x87: {  	_ =	shalt  }
.Lfunc_end0:
.L_simem_size_0:
called_computation.2_lowered:
.L_overlay_start_0:
0x88: {  	s2 =	sld [smem:$0x3FD9]  }
0x89: {  	s3 =	sld [smem:$0x3FFE];
	_ =	sdelay $0x1  }
0x8a: {  	s1 =	srdreg.scid  }
0x8b: {  	s0 =	sand.u32 $0x1, s1  }
0x8c: {  	s16 =	sshll.u32 s0, $0xA;
	s2 =	sadd.s32 s3, s2  }
0x8d: {  	s2 =	sadd.s32 s2, s16  }
0x8e: {  	[smem:$0x3FC5] =	sst s2  }
0x8f: {  	_ = 	snop  }
0x90: {  	(tm) =	ssettm $0x1  }
0x91: {  	s17 =	sld [smem:$0x3FFB];
	_ =	sdelay $0x3  }
0x92: {  	_ =	strace s17  }
0x93: {  	s2 =	sld [smem:$0x3FFC];
	_ =	sdelay $0x3  }
0x94: {  	_ =	strace s2  }
0x95: {  	s2 =	sld [smem:$0x3FFD];
	_ =	sdelay $0x3  }
0x96: {  	_ =	strace s2  }
0x97: {  	_ =	strace $0x8FFFFFFF  }
0x98: {  	s18 =	sld [smem:$0x3FDB];
	_ =	sdelay $0x1  }
0x99: {  	s19 =	simm.s32 $_scs_section_size  }
0x9a: {  	s4 =	simm.s32 $_size__tile_overlayer_lowered;
	s5 =	simm.s32 $_tile_overlayer_lowered  }
0x9b: {  	s22 =	simm.s32 $0x1BFF;
	s21 =	sshll.u32 s5, $0x1;
	s2 =	sadd.s32 s19, s18  }
0x9c: {  	s6 =	simm.s32 $0x0;
	s20 =	sshll.u32 s4, $0x1;
	s4 =	sadd.s32 s21, s2  }
0x9d: {  	[timem:s6], [sflag:s22] =	dma.local [hbm:s4], s20  }
0x9e: {  	_ =	swait.ge [sflag:s22], s20  }
0x9f: {  	s3 =	ssub.s32 $0x0, s20;
	[sflag:s22] =	ssyncset.done $0x0  }
0xa0: {  	[sflag:s22] =	ssyncadd.s32 s3;
	_ =	sdelay $0x1  }
0xa1: {  	s23 =	simm.s32 $0x1B8B  }
0xa2: {  	_ =	swait.ge [sflag:s23], $0x1  }
0xa3: {  	[sflag:s23] =	ssyncset.done $0x0  }
0xa4: {  	s25 =	simm.s32 $0x1B8E;
	s24 =	sld [smem:$0x3FFE];
	[sflag:s23] =	ssyncadd.s32 $0xFFFFFFFF  }
0xa5: {  	s26 =	simm.s32 $execute0_lowered;
	[smem:$0x3FD2] =	sst s25  }
0xa6: {  	s4 =	sshll.u32 s26, $0x1;
	_ =	strace $0x80000046;
	[dreg:$0x1] =	wrdreg $0xFFFFFFFF  }
0xa7: {  	s28 =	simm.s32 $_size_execute0_lowered;
	s2 =	sadd.s32 s2, s4;
	[dreg:$0x0] =	wrdreg $0x0  }
0xa8: {  	s4 =	sshll.u32 s28, $0x1;
	[dreg:$0x2] =	wrdreg s2  }
0xa9: {  	[dreg:$0x3] =	wrdreg s4  }
0xaa: {  	[dreg:$0x4] =	wrdreg $0xC0  }
0xab: {  	_ =	task [dreg:s6], $0x5FFFF  }
0xac: {  	[dreg:$0x1] =	wrdreg $0xFFFFFFFF  }
0xad: {  	[dreg:$0x0] =	wrdreg $0x60  }
0xae: {  	[dreg:$0x2] =	wrdreg s24  }
0xaf: {  	[dreg:$0x3] =	wrdreg $0xA  }
0xb0: {  	_ =	task.clear_ibuf [dreg:s6], $0x4FFFF;
	_ =	strace $0x90000046  }
0xb1: {  	s29 =	simm.s32 $0xA;
	_ =	strace $0x80000048  }
0xb2: {  	_ =	swait.ge [sflag:s29], $0x1  }
0xb3: {  	[sflag:s29] =	ssyncadd.s32 $0xFFFFFFFF  }
0xb4: {  	_ =	strace $0x90000048  }
0xb5: {  	_ =	sfence  }
0xb6: {  	s30 =	sld [smem:$0x0];
	_ =	sdelay $0x2  }
0xb7: {  	s31 =	sshll.u32 s1, $0xD;
	s1 =	sshrl.u32 s1, $0x2  }
0xb8: {  	s3 =	sand.u32 $0x4000, s31;
	s1 =	sadd.s32 s1, s30  }
0xb9: {  	s0 =	sor.u32 s3, s0;
	s1 =	sshll.u32 s1, $0x11  }
0xba: {  	s0 =	sor.u32 s1, s0  }
0xbb: {  	s0 =	sadd.s32 $0x8F2B, s0  }
0xbc: {  	[sflag:s0] =	ssyncadd.remote.s32 $0x1  }
0xbd: {  	_ =	sfence.sel $0xFFFF  }
0xbe: {  	[dreg:$0x0] =	wrdreg $0xFFFFFFFF;
	(pc) =	sbr.abs _section_cstart, $3  }
0xbf: {  	[dreg:$0x1] =	wrdreg $0xFFFFFFFF  }
0xc0: {  	_ =	task.clear_ibuf [dreg:s6], $0x2FFFF;
	_ =	strace $0x9FFFFFFF  }
0xc1: {  	(tm) =	ssettm $0x7FFFFFFF  }
tec
execute0_lowered:
.L_overlay_start_1:
0x0: {  	(tag) =	ssettag $0x1  }
0x1: {  	s7 =	rddreg [dreg:$0x0]  }
0x2: {  	s0 =	rddreg [dreg:$0x1];
	_ =	strace $0x80000047  }
0x3: {  	s1 =	srdreg.scid;
	s4 =	simm.s32 $0x1;
	s9 =	simm.s32 $0x3  }
0x4: {  	s12 =	simm.s32 $0x0;
	s10 =	simm.s32 $0x0;
	s5 =	sshll.u32 s1, $0x4  }
.Ltmp0:
0x5: {  	s1 =	stileid.u32;
	s5 =	sand.u32 $0x10, s5;
	(pc) =	sbr.rel .LBB2_1-.Ltmp0, $4  }
0x6: {  	s2 =	sadd.s32 $0x20000, s7;
	s3 =	sadd.s32 $0x120600, s7;
	s6 =	sor.u32 s1, s5  }
0x7: {  	[sflag:s4] =	ssyncpa.u1 $0x0;
	s5 =	simm.s32 $0x2;
	s6 =	sshll.u32 s6, $0x6  }
0x8: {  	s7 =	sadd.s32 $0x120800, s7;
	[sflag:s5] =	ssyncpa.u1 $0x0;
	s8 =	sadd.s32 $0x40, s6  }
0x9: {  	vm0 =	vmmov $0xff;
	vm1 =	vcmask $0x3F20;
	[sflag:s9] =	ssyncpa.u1 $0x0;
	s9 =	simm.s32 $0x40;
	s11 =	smov.u32 s6  }
.LBB2_9:
0xa: {  	p0 =	seq.s32 s10, $0x2  }
.Ltmp1:
0xb: {  	_ = 	snop;
	(pc) =	sbr.rel @p0 .LBB2_11-.Ltmp1, $1  }
0xc: {  	_ =	sdelay $0x3  }
.LBB2_10:
0xd: {  	s12 =	sadd.s32 $0x40, s11  }
0xe: {  	s13 =	smov.u32 s6;
	p0 =	slt.s32 s12, s8  }
0xf: {  	s13 =	smov.u32 @p0 s12  }
0x10: {  	s10 =	sadd.s32 $0x1, s10;
	s12 =	smov.u32 s11;
	s11 =	smov.u32 s13  }
.LBB2_1:
0x11: {  	p0 =	sne.s32 s10, $0x0  }
.Ltmp2:
0x12: {  	_ = 	snop;
	(pc) =	sbr.rel @!p0 .LBB2_2-.Ltmp2, $1  }
0x13: {  	_ =	sdelay $0x3  }
0x14: {  	s13 =	sand.u32 $0x1, s10  }
0x15: {  	p0 =	seq.s32 s13, $0x0  }
.Ltmp3:
0x16: {  	_ = 	snop;
	(pc) =	sbr.rel @p0 .LBB2_9-.Ltmp3, $1  }
0x17: {  	_ =	sdelay $0x3  }
0x18: {  	_ =	swait.ge [sflag:s5], $0x40  }
0x19: {  	[sflag:s5] =	ssyncset.done $0x0  }
0x1a: {  	s13 =	simm.s32 $0x0;
	[sflag:s5] =	ssyncadd.s32 $0xFFFFFFC0  }
0x1b: {  	v0 =	vld.msk [tilespmem:s13+$0x40 ss:$0x1], $0xffff;
	_ =	sdelay $0x4  }
0x1c: {  	v1 =	vshll.u32 v0, $0x3  }
0x1d: {  	vm2 =	veq.s32 v0, $0x80000000;
	v0 =	vshll.u32 v0, $0x12;
	v1 =	vand.u32 $0x3FF80, v1  }
0x1e: {  	v0 =	vand.u32 $0x3C0000, v0;
	v1 =	vsel vm2, $0xFFFFFF80, v1  }
0x1f: {  	v0 =	vsel vm2, $0xFFFC0000, v0;
	v2 =	vand.u32 $0xFFFFFC00, v1  }
0x20: {  	v1 =	vand.u32 $0x380, v1;
	v0 =	vadd.s32 v0, v2  }
0x21: {  	v0 =	vor.u32 v1, v0  }
0x22: {  	v0 =	vshrl.u32 v0, $0x3;
	_ =	sdelay $0x3  }
0x23: {  	s13 =	simm.s32 $0x2080  }
0x24: {  	[tilespmem:s13], [sflag:$0x1] =	stream.indirect_vreg.gather [hbm:s2], $0x80, v0, vm0, $0x38;
	[tilespmem:$0x4080] =	vst v63  }
0x25: {  	s14 =	simm.s32 $0x2480;
	s31 =	simm.s32 $0x10  }
0x26: {  	[tilespmem:s14], [sflag:$0x1] =	stream.indirect_vreg.gather [hbm:s2], $0x80, v0, vm1, $0x38;
	[tilespmem:$0x4080] =	vst v63  }
0x27: {  	s14 =	simm.s32 $0x80;
	v0 =	vld.msk [tilespmem:s31+$0x40 ss:$0x1], $0xffff  }
.LBB2_5:
0x28: {  	p0 =	sne.s32 s14, $0xC0;
	_ =	sdelay $0x4  }
0x29: {  	v1 =	vshll.u32 v0, $0x3  }
0x2a: {  	vm2 =	veq.s32 v0, $0x80000000;
	v0 =	vshll.u32 v0, $0x12;
	v1 =	vand.u32 $0x3FF80, v1  }
0x2b: {  	v0 =	vand.u32 $0x3C0000, v0;
	v1 =	vsel vm2, $0xFFFFFF80, v1  }
0x2c: {  	v0 =	vsel vm2, $0xFFFC0000, v0;
	v2 =	vand.u32 $0xFFFFFC00, v1  }
0x2d: {  	v1 =	vand.u32 $0x380, v1;
	v0 =	vadd.s32 v0, v2  }
0x2e: {  	v0 =	vor.u32 v1, v0  }
0x2f: {  	v0 =	vshrl.u32 v0, $0x3;
	_ =	sdelay $0x3  }
.Ltmp4:
0x30: {  	s13 =	sadd.s32 $0x800, s13;
	(pc) =	sbr.rel @p0 .LBB2_5-.Ltmp4, $4  }
0x31: {  	[tilespmem:s13], [sflag:$0x1] =	stream.indirect_vreg.gather [hbm:s2], $0x80, v0, vm0, $0x38;
	[tilespmem:$0x4080] =	vst v63  }
0x32: {  	s15 =	sshra.s32 s14, $0x2;
	s16 =	sadd.s32 $0x400, s13  }
0x33: {  	[tilespmem:s16], [sflag:$0x1] =	stream.indirect_vreg.gather [hbm:s2], $0x80, v0, vm1, $0x38;
	[tilespmem:$0x4080] =	vst v63  }
0x34: {  	s14 =	sadd.s32 $0x40, s14;
	v0 =	vld.msk [tilespmem:s15+$0x40 ss:$0x1], $0xffff  }
0x35: {  	_ =	sdelay $0x3  }
0x36: {  	v1 =	vshll.u32 v0, $0x3  }
0x37: {  	vm2 =	veq.s32 v0, $0x80000000;
	v63 =	vshll.u32 v0, $0x12;
	v1 =	vand.u32 $0x3FF80, v1  }
0x38: {  	v0 =	vand.u32 $0x3C0000, v63;
	v1 =	vsel vm2, $0xFFFFFF80, v1  }
0x39: {  	v0 =	vsel vm2, $0xFFFC0000, v0;
	v2 =	vand.u32 $0xFFFFFC00, v1  }
0x3a: {  	v1 =	vand.u32 $0x380, v1;
	v0 =	vadd.s32 v0, v2  }
0x3b: {  	v0 =	vor.u32 v1, v0  }
0x3c: {  	v0 =	vshrl.u32 v0, $0x3;
	_ =	sdelay $0x3  }
0x3d: {  	s13 =	sadd.s32 $0x800, s13  }
0x3e: {  	[tilespmem:s13], [sflag:$0x1] =	stream.indirect_vreg.gather [hbm:s2], $0x80, v0, vm0, $0x38;
	[tilespmem:$0x4080] =	vst v63  }
0x3f: {  	s13 =	sadd.s32 $0x400, s13  }
0x40: {  	[tilespmem:s13], [sflag:$0x1] =	stream.indirect_vreg.gather [hbm:s2], $0x80, v0, vm1, $0x38;
	[tilespmem:$0x4080] =	vst v63  }
0x41: {  	s12 =	sshll.u32 s12, $0x4;
	s14 =	simm.s32 $0x80;
	_ =	swait.ge [sflag:s4], $0x2000  }
0x42: {  	s15 =	simm.s32 $0x2480;
	s12 =	sadd.s32 s12, s7;
	[sflag:s4] =	ssyncset.done $0x0  }
0x43: {  	s16 =	sadd.s32 $0x0, s12;
	s13 =	simm.s32 $0x2080;
	[sflag:s4] =	ssyncadd.s32 $0xFFFFE000  }
.LBB2_7:
0x44: {  	[hbm:s16] =	stream.linear.scatter [tilespmem:s13], [sflag:$0x3], $0x400, $0x38;
	[tilespmem:$0x4080] =	vst v63  }
0x45: {  	s16 =	smov.u32 s14;
	s13 =	smov.u32 s15;
	p0 =	sne.s32 s14, $0x380  }
.Ltmp5:
0x46: {  	s14 =	sadd.s32 $0x80, s14;
	(pc) =	sbr.rel @p0 .LBB2_7-.Ltmp5, $2  }
0x47: {  	_ =	sdelay $0x2  }
0x48: {  	s15 =	sadd.s32 $0x400, s15;
	s16 =	sadd.s32 s16, s12  }
.Ltmp6:
0x49: {  	(pc) =	sbr.rel .LBB2_9-.Ltmp6, $2  }
0x4a: {  	_ =	sdelay $0x2  }
0x4b: {  	[hbm:s16] =	stream.linear.scatter [tilespmem:s13], [sflag:$0x3], $0x400, $0x38;
	[tilespmem:$0x4080] =	vst v63  }
.LBB2_2:
.Ltmp7:
0x4c: {  	(pc) =	sbr.rel .LBB2_10-.Ltmp7, $4  }
0x4d: {  	_ = 	snop  }
0x4e: {  	s12 =	sshrl.u32 s11, $0x3  }
0x4f: {  	s13 =	sand.u32 $0x7, s11;
	s12 =	sadd.s32 s3, s12  }
0x50: {  	[tilespmem:s9], [sflag:$0x2] =	stream.linear.gather [hbm4b:s12+s13], $0x40, $0x38;
	[tilespmem:$0x4080] =	vst v63  }
.LBB2_11:
0x51: {  	s2 =	simm.s32 $0x3  }
0x52: {  	_ =	swait.ge [sflag:s2], $0x2000  }
0x53: {  	[sflag:s2] =	ssyncset.done $0x0  }
0x54: {  	[sflag:s2] =	ssyncadd.s32 $0xFFFFE000  }
0x55: {  	_ =	sfence.sel $0x180000  }
0x56: {  	s3 =	simm.s32 $0x2;
	[bflag:$0x0] =	sbarrier.arrive $0xFFFF  }
0x57: {  	[sflag:s3] =	ssyncpa.u1 $0x1  }
0x58: {  	s31 =	simm.s32 $0x1;
	[sflag:s2] =	ssyncpa.u1 $0x1  }
0x59: {  	[sflag:s31] =	ssyncpa.u1 $0x1  }
0x5a: {  	p0 =	sne.s32 s1, $0x0;
	_ =	strace $0x90000047  }
0x5b: {  	s0 =	sadd.s32 @!p0 $0x100000, s0;
	[bflag:$0x2] =	sbarrier.arrive $0xFFFF  }
0x5c: {  	[sflag:s0] =	ssyncadd.tile.s32 @!p0 $0x1;
	_ =	shalt  }
.Lfunc_end2:
_tile_overlayer_lowered:
.L_overlay_start_2:
0x5d: {  	(tag) =	ssettag $0x2  }
0x5e: {  	s0 =	rddreg [dreg:$0x0];
	s2 =	stileid.u32  }
0x5f: {  	s1 =	rddreg [dreg:$0x1];
	p0 =	sne.s32 s2, $0x0  }
0x60: {  	s3 =	rddreg [dreg:$0x2];
	[bflag:$0x3] =	sbarrier.arrive $0xFFFF;
	s2 =	simm.s32 @!p0 $0x1C01  }
0x61: {  	[timem:s3], [sflag:s2] =	dma.local @!p0 [hbm:s0], s1  }
0x62: {  	s0 =	simm.s32 @!p0 $0x1  }
0x63: {  	_ =	swait.ge @!p0 [sflag:s0], s1  }
0x64: {  	s1 =	ssub.s32 @!p0 $0x0, s1;
	[sflag:s0] =	ssyncset.done @!p0 $0x0  }
0x65: {  	[sflag:s0] =	ssyncadd.s32 @!p0 s1  }
0x66: {  	[bflag:$0x3] =	sbarrier.arrive $0xFFFF  }
0x67: {  	_ =	shalt  }

// kernel: gather_offload_async_start.3
scs
__scs_entry_jumppad:
0x0: {  	(pc) =	sbr.rel $0x88, $3  }
0x1: {  	(tag) =	ssettag $0x0;
	lr =	simm.s32 $0x1  }
0x2: {  	[smem:$0x3F9E] =	sst lr;
	_ =	strace $0xD0000000  }
0x3: {  	_ = 	snop  }
0x4: {  	_ = 	snop  }
0x5: {  	_ = 	snop  }
0x6: {  	_ = 	snop  }
0x7: {  	_ = 	snop  }
__scs_overlays_trampoline_lowered:
0x8: {  	[smem:$0x3FAD] =	sst s0  }
0x9: {  	[smem:$0x3FAE] =	sst s1  }
0xa: {  	[smem:$0x3FAF] =	sst s2  }
0xb: {  	[smem:$0x3FB0] =	sst s3  }
0xc: {  	[smem:$0x3FB1] =	sst s4  }
0xd: {  	[smem:$0x3FB2] =	sst s5  }
0xe: {  	[smem:$0x3FB3] =	sst s6  }
0xf: {  	[smem:$0x3FB4] =	sst s7  }
0x10: {  	[smem:$0x3FB5] =	sst s8  }
0x11: {  	[smem:$0x3FB6] =	sst s9;
	s0 =	simm.s32 @!p0 $0x0  }
0x12: {  	s1 =	sld [smem:$0x3F9C];
	s0 =	simm.s32 @p0 $0x1  }
0x13: {  	[smem:$0x3FB7] =	sst s0;
	s0 =	simm.s32 @!p1 $0x0  }
0x14: {  	s2 =	sld [smem:$0x3F9B];
	s0 =	simm.s32 @p1 $0x1  }
0x15: {  	[smem:$0x3FB8] =	sst s0;
	s0 =	simm.s32 @!p2 $0x0  }
0x16: {  	s3 =	sld [smem:$0x3FDB];
	s0 =	simm.s32 @p2 $0x1  }
0x17: {  	s4 =	simm.s32 $0x1BF5;
	[smem:$0x3FBA] =	sst s0  }
0x18: {  	s0 =	sld [smem:$0x3F9D];
	_ =	swait.ge [sflag:s4], $0x0  }
0x19: {  	s7 =	sld [smem:$0x3F9E]  }
0x1a: {  	s8 =	sadd.s32 $0xFFFFE003, lr  }
0x1b: {  	s9 =	sadd.s32 $0xFFFFFEF7, lr;
	s5 =	simm.s32 $0xFFFFFFFF;
	p2 =	slt.u32 s8, $0xFFFFF086  }
0x1c: {  	p1 =	slt.u32 s9, $0xF7A;
	s5 =	simm.s32 @!p2 $0x0  }
0x1d: {  	s5 =	simm.s32 @p1 $0x1;
	p0 =	seq.s32 s7, s2  }
0x1e: {  	s7 =	smul.u32 @!p0 $0xF7A, s2;
	p2 =	seq.s32 @!p0 s5, $0x0  }
0x1f: {  	s9 =	smul.u32 $0xF7A, s1;
	s8 =	simm.s32 @!p0 $0x1BF5;
	p2 =	por !p2, p0  }
0x20: {  	[sflag:s8] =	ssyncset.s32 @!p0 $0xFFFFF086;
	s6 =	sadd.s32 @!p0 s3, s7;
	s7 =	simm.s32 @!p0 $0x108  }
0x21: {  	s3 =	sadd.s32 s3, s9;
	s6 =	sadd.s32 @!p0 $0x88, s6;
	s7 =	simm.s32 @p2 $0x1082  }
0x22: {  	[simem:s7], [sflag:s8] =	dma.local @!p0 [hbm:s6], $0xF7A  }
0x23: {  	s9 =	sor.u32 $0xD0000000, s2;
	s6 =	simm.s32 $0x108;
	_ =	swait.ge @!p0 [sflag:s8], $0x0  }
0x24: {  	s3 =	sadd.s32 $0x88, s3;
	s6 =	simm.s32 @!p1 $0x1082;
	[sflag:s4] =	ssyncset.s32 $0xFFFFF086  }
0x25: {  	[simem:s6], [sflag:s4] =	dma.local [hbm:s3], $0xF7A  }
0x26: {  	[smem:$0x3F9E] =	sst s1;
	(tag) =	ssettag s2;
	_ =	strace s9  }
0x27: {  	s1 =	sld [smem:$0x3FAE]  }
0x28: {  	s2 =	sld [smem:$0x3FAF]  }
0x29: {  	s4 =	sld [smem:$0x3FB1]  }
0x2a: {  	p0 =	seq.s32 s5, $0x0;
	s5 =	sld [smem:$0x3FB2]  }
0x2b: {  	s6 =	sld [smem:$0x3FB3]  }
0x2c: {  	s7 =	sld [smem:$0x3FB4]  }
0x2d: {  	s3 =	simm.s32 $0x108;
	s8 =	sld [smem:$0x3FB5]  }
0x2e: {  	s3 =	simm.s32 @!p0 $0x1082;
	s9 =	sld [smem:$0x3FB6]  }
0x2f: {  	lr =	sadd.s32 s0, s3;
	s0 =	sld [smem:$0x3FAD]  }
0x30: {  	s3 =	sld [smem:$0x3FB0]  }
0x31: {  	[smem:$0x3FB9] =	sst s10  }
0x32: {  	s10 =	sld [smem:$0x3FB7];
	_ =	sdelay $0x3  }
0x33: {  	p0 =	seq.s32 s10, $0x1;
	s10 =	sld [smem:$0x3FB9];
	_ =	sdelay $0x3  }
0x34: {  	[smem:$0x3FB9] =	sst s10  }
0x35: {  	s10 =	sld [smem:$0x3FB8];
	_ =	sdelay $0x3  }
0x36: {  	p1 =	seq.s32 s10, $0x1;
	s10 =	sld [smem:$0x3FB9];
	_ =	sdelay $0x3  }
0x37: {  	[smem:$0x3FB9] =	sst s10  }
0x38: {  	s10 =	sld [smem:$0x3FBA]  }
0x39: {  	_ = 	snop;
	(pc) =	sbr.ind lr, $3  }
0x3a: {  	_ = 	snop  }
0x3b: {  	_ = 	snop  }
0x3c: {  	p2 =	seq.s32 s10, $0x1;
	s10 =	sld [smem:$0x3FB9]  }
0x3d: {  	_ =	shalt  }
0x3e: {  	_ =	shalt  }
0x3f: {  	_ =	shalt  }
0x40: {  	_ =	shalt  }
0x41: {  	_ =	shalt  }
0x42: {  	_ =	shalt  }
0x43: {  	_ =	shalt  }
0x44: {  	_ =	shalt  }
0x45: {  	_ =	shalt  }
0x46: {  	_ =	shalt  }
0x47: {  	_ =	shalt  }
0x48: {  	_ =	shalt  }
0x49: {  	_ =	shalt  }
0x4a: {  	_ =	shalt  }
0x4b: {  	_ =	shalt  }
0x4c: {  	_ =	shalt  }
0x4d: {  	_ =	shalt  }
0x4e: {  	_ =	shalt  }
0x4f: {  	_ =	shalt  }
0x50: {  	_ =	shalt  }
0x51: {  	_ =	shalt  }
0x52: {  	_ =	shalt  }
0x53: {  	_ =	shalt  }
0x54: {  	_ =	shalt  }
0x55: {  	_ =	shalt  }
0x56: {  	_ =	shalt  }
0x57: {  	_ =	shalt  }
0x58: {  	_ =	shalt  }
0x59: {  	_ =	shalt  }
0x5a: {  	_ =	shalt  }
0x5b: {  	_ =	shalt  }
0x5c: {  	_ =	shalt  }
0x5d: {  	_ =	shalt  }
0x5e: {  	_ =	shalt  }
0x5f: {  	_ =	shalt  }
0x60: {  	_ =	shalt  }
0x61: {  	_ =	shalt  }
0x62: {  	_ =	shalt  }
0x63: {  	_ =	shalt  }
0x64: {  	_ =	shalt  }
0x65: {  	_ =	shalt  }
0x66: {  	_ =	shalt  }
0x67: {  	_ =	shalt  }
0x68: {  	_ =	shalt  }
0x69: {  	_ =	shalt  }
0x6a: {  	_ =	shalt  }
0x6b: {  	_ =	shalt  }
0x6c: {  	_ =	shalt  }
0x6d: {  	_ =	shalt  }
0x6e: {  	_ =	shalt  }
0x6f: {  	_ =	shalt  }
0x70: {  	_ =	shalt  }
0x71: {  	_ =	shalt  }
0x72: {  	_ =	shalt  }
0x73: {  	_ =	shalt  }
0x74: {  	_ =	shalt  }
0x75: {  	_ =	shalt  }
0x76: {  	_ =	shalt  }
0x77: {  	_ =	shalt  }
0x78: {  	_ =	shalt  }
0x79: {  	_ =	shalt  }
0x7a: {  	_ =	shalt  }
0x7b: {  	_ =	shalt  }
0x7c: {  	_ =	shalt  }
0x7d: {  	_ =	shalt  }
0x7e: {  	_ =	shalt  }
0x7f: {  	_ =	shalt  }
0x80: {  	_ =	shalt  }
0x81: {  	_ =	shalt  }
0x82: {  	_ =	shalt  }
0x83: {  	_ =	shalt  }
0x84: {  	_ =	shalt  }
0x85: {  	_ =	shalt  }
0x86: {  	_ =	shalt  }
0x87: {  	_ =	shalt  }
.Lfunc_end0:
.L_simem_size_0:
called_computation.3_lowered:
.L_overlay_start_0:
0x88: {  	s2 =	sld [smem:$0x3FD9]  }
0x89: {  	s3 =	sld [smem:$0x3FFE];
	_ =	sdelay $0x1  }
0x8a: {  	s1 =	srdreg.scid  }
0x8b: {  	s0 =	sand.u32 $0x1, s1  }
0x8c: {  	s17 =	sshll.u32 s0, $0xA;
	s2 =	sadd.s32 s3, s2  }
0x8d: {  	s2 =	sadd.s32 s2, s17  }
0x8e: {  	[smem:$0x3FC5] =	sst s2  }
0x8f: {  	_ = 	snop  }
0x90: {  	(tm) =	ssettm $0x1  }
0x91: {  	s18 =	sld [smem:$0x3FFB];
	_ =	sdelay $0x3  }
0x92: {  	_ =	strace s18  }
0x93: {  	s2 =	sld [smem:$0x3FFC];
	_ =	sdelay $0x3  }
0x94: {  	_ =	strace s2  }
0x95: {  	s2 =	sld [smem:$0x3FFD];
	_ =	sdelay $0x3  }
0x96: {  	_ =	strace s2  }
0x97: {  	_ =	strace $0x8FFFFFFF  }
0x98: {  	s19 =	sld [smem:$0x3FDB];
	_ =	sdelay $0x1  }
0x99: {  	s20 =	simm.s32 $_scs_section_size  }
0x9a: {  	s4 =	simm.s32 $_size__tile_overlayer_lowered;
	s5 =	simm.s32 $_tile_overlayer_lowered  }
0x9b: {  	s6 =	simm.s32 $0x1BFF;
	s21 =	sshll.u32 s5, $0x1;
	s3 =	sadd.s32 s20, s19  }
0x9c: {  	s22 =	simm.s32 $0x0;
	s4 =	sshll.u32 s4, $0x1;
	s5 =	sadd.s32 s21, s3  }
0x9d: {  	[timem:s22], [sflag:s6] =	dma.local [hbm:s5], s4  }
0x9e: {  	_ =	swait.ge [sflag:s6], s4  }
0x9f: {  	s4 =	ssub.s32 $0x0, s4;
	[sflag:s6] =	ssyncset.done $0x0  }
0xa0: {  	[sflag:s6] =	ssyncadd.s32 s4;
	_ =	sdelay $0x1  }
0xa1: {  	s23 =	simm.s32 $0x1B8B  }
0xa2: {  	_ =	swait.ge [sflag:s23], $0x1  }
0xa3: {  	[sflag:s23] =	ssyncset.done $0x0  }
0xa4: {  	[sflag:s23] =	ssyncadd.s32 $0xFFFFFFFF  }
0xa5: {  	s4 =	sld [smem:$0x0]  }
0xa6: {  	s5 =	sand.u32 $0xFFFFFFFE, s1  }
0xa7: {  	p0 =	sne.s32 s1, s5  }
0xa8: {  	s5 =	sshll.u32 @p0 s5, $0xE  }
0xa9: {  	s5 =	sadd.s32 @p0 $0x11B8D, s5;
	s6 =	sshll.u32 @p0 s4, $0x11  }
0xaa: {  	s5 =	sor.u32 @p0 s6, s5  }
0xab: {  	[sflag:s5] =	ssyncadd.remote.s32 @p0 $0x1;
	_ =	sdelay $0x1  }
0xac: {  	s5 =	simm.s32 @p0 $0x1B8D  }
0xad: {  	_ =	swait.eq @p0 [sflag:s5], $0x1  }
0xae: {  	[sflag:s5] =	ssyncadd.s32 @p0 $0xFFFFFFFF  }
0xaf: {  	s6 =	sshll.u32 @!p0 s1, $0xE  }
0xb0: {  	s6 =	sor.u32 @!p0 $0x4000, s6;
	s5 =	simm.s32 @!p0 $0x1B8D  }
0xb1: {  	s4 =	sshll.u32 @!p0 s4, $0x11;
	s6 =	sadd.s32 @!p0 $0x11B8D, s6;
	_ =	swait.eq @!p0 [sflag:s5], $0x1  }
0xb2: {  	s4 =	sor.u32 @!p0 s4, s6;
	[sflag:s5] =	ssyncadd.s32 @!p0 $0xFFFFFFFF  }
0xb3: {  	s25 =	simm.s32 $0x1B8E;
	s24 =	sld [smem:$0x3FFE];
	[sflag:s4] =	ssyncadd.remote.s32 @!p0 $0x1  }
0xb4: {  	s26 =	simm.s32 $execute0_lowered;
	[smem:$0x3FD2] =	sst s25  }
0xb5: {  	s5 =	sshll.u32 s26, $0x1;
	_ =	strace $0x8000004F;
	[dreg:$0x1] =	wrdreg $0xFFFFFFFF  }
0xb6: {  	s28 =	simm.s32 $_size_execute0_lowered;
	s3 =	sadd.s32 s3, s5;
	[dreg:$0x0] =	wrdreg $0x0  }
0xb7: {  	s5 =	sshll.u32 s28, $0x1;
	[dreg:$0x2] =	wrdreg s3  }
0xb8: {  	[dreg:$0x3] =	wrdreg s5  }
0xb9: {  	[dreg:$0x4] =	wrdreg $0xC0  }
0xba: {  	_ =	task [dreg:s22], $0x5FFFF  }
0xbb: {  	[dreg:$0x1] =	wrdreg $0xFFFFFFFF  }
0xbc: {  	[dreg:$0x0] =	wrdreg $0x60  }
0xbd: {  	[dreg:$0x2] =	wrdreg s24  }
0xbe: {  	[dreg:$0x3] =	wrdreg $0x9  }
0xbf: {  	_ =	task.clear_ibuf [dreg:s22], $0x4FFFF;
	_ =	strace $0x9000004F  }
0xc0: {  	s29 =	simm.s32 $0x9;
	_ =	strace $0x80000051  }
0xc1: {  	_ =	swait.ge [sflag:s29], $0x1  }
0xc2: {  	[sflag:s29] =	ssyncadd.s32 $0xFFFFFFFF  }
0xc3: {  	_ =	strace $0x90000051  }
0xc4: {  	_ =	sfence  }
0xc5: {  	s30 =	sld [smem:$0x0];
	_ =	sdelay $0x2  }
0xc6: {  	s31 =	sshll.u32 s1, $0xD;
	s1 =	sshrl.u32 s1, $0x2  }
0xc7: {  	s4 =	sand.u32 $0x4000, s31;
	s1 =	sadd.s32 s1, s30  }
0xc8: {  	s0 =	sor.u32 s4, s0;
	s1 =	sshll.u32 s1, $0x11  }
0xc9: {  	s0 =	sor.u32 s1, s0  }
0xca: {  	s0 =	sadd.s32 $0x8F2B, s0  }
0xcb: {  	[sflag:s0] =	ssyncadd.remote.s32 $0x1  }
0xcc: {  	_ =	sfence.sel $0xFFFF  }
0xcd: {  	[dreg:$0x0] =	wrdreg $0xFFFFFFFF;
	(pc) =	sbr.abs _section_cstart, $3  }
0xce: {  	[dreg:$0x1] =	wrdreg $0xFFFFFFFF  }
0xcf: {  	_ =	task.clear_ibuf [dreg:s22], $0x2FFFF;
	_ =	strace $0x9FFFFFFF  }
0xd0: {  	(tm) =	ssettm $0x7FFFFFFF  }
0xd1: {  	_ =	shalt  }
tec
execute0_lowered:
.L_overlay_start_1:
0x0: {  	(tag) =	ssettag $0x1  }
0x1: {  	s7 =	rddreg [dreg:$0x0]  }
0x2: {  	s0 =	rddreg [dreg:$0x1];
	_ =	strace $0x80000050  }
0x3: {  	s1 =	srdreg.scid;
	s4 =	simm.s32 $0x1;
	s9 =	simm.s32 $0x3  }
0x4: {  	s12 =	simm.s32 $0x0;
	s10 =	simm.s32 $0x0;
	s5 =	sshll.u32 s1, $0x4  }
.Ltmp0:
0x5: {  	s1 =	stileid.u32;
	s5 =	sand.u32 $0x10, s5;
	(pc) =	sbr.rel .LBB2_1-.Ltmp0, $4  }
0x6: {  	s2 =	sadd.s32 $0xA0000, s7;
	s3 =	sadd.s32 $0x120000, s7;
	s6 =	sor.u32 s1, s5  }
0x7: {  	[sflag:s4] =	ssyncpa.u1 $0x0;
	s5 =	simm.s32 $0x2;
	s6 =	sshll.u32 s6, $0x6  }
0x8: {  	s7 =	sadd.s32 $0x20000, s7;
	[sflag:s5] =	ssyncpa.u1 $0x0;
	s8 =	sadd.s32 $0x40, s6  }
0x9: {  	vm0 =	vmmov $0xff;
	vm1 =	vcmask $0x3F20;
	[sflag:s9] =	ssyncpa.u1 $0x0;
	s9 =	simm.s32 $0x40;
	s11 =	smov.u32 s6  }
.LBB2_9:
0xa: {  	p0 =	seq.s32 s10, $0x2  }
.Ltmp1:
0xb: {  	_ = 	snop;
	(pc) =	sbr.rel @p0 .LBB2_11-.Ltmp1, $1  }
0xc: {  	_ =	sdelay $0x3  }
.LBB2_10:
0xd: {  	s12 =	sadd.s32 $0x40, s11  }
0xe: {  	s13 =	smov.u32 s6;
	p0 =	slt.s32 s12, s8  }
0xf: {  	s13 =	smov.u32 @p0 s12  }
0x10: {  	s10 =	sadd.s32 $0x1, s10;
	s12 =	smov.u32 s11;
	s11 =	smov.u32 s13  }
.LBB2_1:
0x11: {  	p0 =	sne.s32 s10, $0x0  }
.Ltmp2:
0x12: {  	_ = 	snop;
	(pc) =	sbr.rel @!p0 .LBB2_2-.Ltmp2, $1  }
0x13: {  	_ =	sdelay $0x3  }
0x14: {  	s13 =	sand.u32 $0x1, s10  }
0x15: {  	p0 =	seq.s32 s13, $0x0  }
.Ltmp3:
0x16: {  	_ = 	snop;
	(pc) =	sbr.rel @p0 .LBB2_9-.Ltmp3, $1  }
0x17: {  	_ =	sdelay $0x3  }
0x18: {  	_ =	swait.ge [sflag:s5], $0x40  }
0x19: {  	[sflag:s5] =	ssyncset.done $0x0  }
0x1a: {  	s13 =	simm.s32 $0x0;
	[sflag:s5] =	ssyncadd.s32 $0xFFFFFFC0  }
0x1b: {  	v0 =	vld.msk [tilespmem:s13+$0x40 ss:$0x1], $0xffff;
	_ =	sdelay $0x4  }
0x1c: {  	v1 =	vshll.u32 v0, $0x3  }
0x1d: {  	vm2 =	veq.s32 v0, $0x80000000;
	v0 =	vshll.u32 v0, $0x12;
	v1 =	vand.u32 $0x3FF80, v1  }
0x1e: {  	v0 =	vand.u32 $0x3C0000, v0;
	v1 =	vsel vm2, $0xFFFFFF80, v1  }
0x1f: {  	v0 =	vsel vm2, $0xFFFC0000, v0;
	v2 =	vand.u32 $0xFFFFFC00, v1  }
0x20: {  	v1 =	vand.u32 $0x380, v1;
	v0 =	vadd.s32 v0, v2  }
0x21: {  	v0 =	vor.u32 v1, v0  }
0x22: {  	v0 =	vshrl.u32 v0, $0x3;
	_ =	sdelay $0x3  }
0x23: {  	s13 =	simm.s32 $0x2080  }
0x24: {  	[tilespmem:s13], [sflag:$0x1] =	stream.indirect_vreg.gather [hbm:s2], $0x80, v0, vm0, $0x38;
	[tilespmem:$0x4080] =	vst v63  }
0x25: {  	s14 =	simm.s32 $0x2480;
	s31 =	simm.s32 $0x10  }
0x26: {  	[tilespmem:s14], [sflag:$0x1] =	stream.indirect_vreg.gather [hbm:s2], $0x80, v0, vm1, $0x38;
	[tilespmem:$0x4080] =	vst v63  }
0x27: {  	s14 =	simm.s32 $0x80;
	v0 =	vld.msk [tilespmem:s31+$0x40 ss:$0x1], $0xffff  }
.LBB2_5:
0x28: {  	p0 =	sne.s32 s14, $0xC0;
	_ =	sdelay $0x4  }
0x29: {  	v1 =	vshll.u32 v0, $0x3  }
0x2a: {  	vm2 =	veq.s32 v0, $0x80000000;
	v0 =	vshll.u32 v0, $0x12;
	v1 =	vand.u32 $0x3FF80, v1  }
0x2b: {  	v0 =	vand.u32 $0x3C0000, v0;
	v1 =	vsel vm2, $0xFFFFFF80, v1  }
0x2c: {  	v0 =	vsel vm2, $0xFFFC0000, v0;
	v2 =	vand.u32 $0xFFFFFC00, v1  }
0x2d: {  	v1 =	vand.u32 $0x380, v1;
	v0 =	vadd.s32 v0, v2  }
0x2e: {  	v0 =	vor.u32 v1, v0  }
0x2f: {  	v0 =	vshrl.u32 v0, $0x3;
	_ =	sdelay $0x3  }
.Ltmp4:
0x30: {  	s13 =	sadd.s32 $0x800, s13;
	(pc) =	sbr.rel @p0 .LBB2_5-.Ltmp4, $4  }
0x31: {  	[tilespmem:s13], [sflag:$0x1] =	stream.indirect_vreg.gather [hbm:s2], $0x80, v0, vm0, $0x38;
	[tilespmem:$0x4080] =	vst v63  }
0x32: {  	s15 =	sshra.s32 s14, $0x2;
	s16 =	sadd.s32 $0x400, s13  }
0x33: {  	[tilespmem:s16], [sflag:$0x1] =	stream.indirect_vreg.gather [hbm:s2], $0x80, v0, vm1, $0x38;
	[tilespmem:$0x4080] =	vst v63  }
0x34: {  	s14 =	sadd.s32 $0x40, s14;
	v0 =	vld.msk [tilespmem:s15+$0x40 ss:$0x1], $0xffff  }
0x35: {  	_ =	sdelay $0x3  }
0x36: {  	v1 =	vshll.u32 v0, $0x3  }
0x37: {  	vm2 =	veq.s32 v0, $0x80000000;
	v63 =	vshll.u32 v0, $0x12;
	v1 =	vand.u32 $0x3FF80, v1  }
0x38: {  	v0 =	vand.u32 $0x3C0000, v63;
	v1 =	vsel vm2, $0xFFFFFF80, v1  }
0x39: {  	v0 =	vsel vm2, $0xFFFC0000, v0;
	v2 =	vand.u32 $0xFFFFFC00, v1  }
0x3a: {  	v1 =	vand.u32 $0x380, v1;
	v0 =	vadd.s32 v0, v2  }
0x3b: {  	v0 =	vor.u32 v1, v0  }
0x3c: {  	v0 =	vshrl.u32 v0, $0x3;
	_ =	sdelay $0x3  }
0x3d: {  	s13 =	sadd.s32 $0x800, s13  }
0x3e: {  	[tilespmem:s13], [sflag:$0x1] =	stream.indirect_vreg.gather [hbm:s2], $0x80, v0, vm0, $0x38;
	[tilespmem:$0x4080] =	vst v63  }
0x3f: {  	s13 =	sadd.s32 $0x400, s13  }
0x40: {  	[tilespmem:s13], [sflag:$0x1] =	stream.indirect_vreg.gather [hbm:s2], $0x80, v0, vm1, $0x38;
	[tilespmem:$0x4080] =	vst v63  }
0x41: {  	s12 =	sshll.u32 s12, $0x4;
	s14 =	simm.s32 $0x80;
	_ =	swait.ge [sflag:s4], $0x2000  }
0x42: {  	s15 =	simm.s32 $0x2480;
	s12 =	sadd.s32 s12, s7;
	[sflag:s4] =	ssyncset.done $0x0  }
0x43: {  	s16 =	sadd.s32 $0x0, s12;
	s13 =	simm.s32 $0x2080;
	[sflag:s4] =	ssyncadd.s32 $0xFFFFE000  }
.LBB2_7:
0x44: {  	[hbm:s16] =	stream.linear.scatter [tilespmem:s13], [sflag:$0x3], $0x400, $0x38;
	[tilespmem:$0x4080] =	vst v63  }
0x45: {  	s16 =	smov.u32 s14;
	s13 =	smov.u32 s15;
	p0 =	sne.s32 s14, $0x380  }
.Ltmp5:
0x46: {  	s14 =	sadd.s32 $0x80, s14;
	(pc) =	sbr.rel @p0 .LBB2_7-.Ltmp5, $2  }
0x47: {  	_ =	sdelay $0x2  }
0x48: {  	s15 =	sadd.s32 $0x400, s15;
	s16 =	sadd.s32 s16, s12  }
.Ltmp6:
0x49: {  	(pc) =	sbr.rel .LBB2_9-.Ltmp6, $2  }
0x4a: {  	_ =	sdelay $0x2  }
0x4b: {  	[hbm:s16] =	stream.linear.scatter [tilespmem:s13], [sflag:$0x3], $0x400, $0x38;
	[tilespmem:$0x4080] =	vst v63  }
.LBB2_2:
.Ltmp7:
0x4c: {  	(pc) =	sbr.rel .LBB2_10-.Ltmp7, $4  }
0x4d: {  	_ = 	snop  }
0x4e: {  	s12 =	sshrl.u32 s11, $0x3  }
0x4f: {  	s13 =	sand.u32 $0x7, s11;
	s12 =	sadd.s32 s3, s12  }
0x50: {  	[tilespmem:s9], [sflag:$0x2] =	stream.linear.gather [hbm4b:s12+s13], $0x40, $0x38;
	[tilespmem:$0x4080] =	vst v63  }
.LBB2_11:
0x51: {  	s2 =	simm.s32 $0x3  }
0x52: {  	_ =	swait.ge [sflag:s2], $0x2000  }
0x53: {  	[sflag:s2] =	ssyncset.done $0x0  }
0x54: {  	[sflag:s2] =	ssyncadd.s32 $0xFFFFE000  }
0x55: {  	_ =	sfence.sel $0x180000  }
0x56: {  	s3 =	simm.s32 $0x2;
	[bflag:$0x0] =	sbarrier.arrive $0xFFFF  }
0x57: {  	[sflag:s3] =	ssyncpa.u1 $0x1  }
0x58: {  	s31 =	simm.s32 $0x1;
	[sflag:s2] =	ssyncpa.u1 $0x1  }
0x59: {  	[sflag:s31] =	ssyncpa.u1 $0x1  }
0x5a: {  	p0 =	sne.s32 s1, $0x0;
	_ =	strace $0x90000050  }
0x5b: {  	s0 =	sadd.s32 @!p0 $0x100000, s0;
	[bflag:$0x2] =	sbarrier.arrive $0xFFFF  }
0x5c: {  	[sflag:s0] =	ssyncadd.tile.s32 @!p0 $0x1;
	_ =	shalt  }
.Lfunc_end2:
_tile_overlayer_lowered:
.L_overlay_start_2:
0x5d: {  	(tag) =	ssettag $0x2  }
0x5e: {  	s0 =	rddreg [dreg:$0x0];
	s2 =	stileid.u32  }
0x5f: {  	s1 =	rddreg [dreg:$0x1];
	p0 =	sne.s32 s2, $0x0  }
0x60: {  	s3 =	rddreg [dreg:$0x2];
	[bflag:$0x3] =	sbarrier.arrive $0xFFFF;
	s2 =	simm.s32 @!p0 $0x1C01  }
0x61: {  	[timem:s3], [sflag:s2] =	dma.local @!p0 [hbm:s0], s1  }
0x62: {  	s0 =	simm.s32 @!p0 $0x1  }
0x63: {  	_ =	swait.ge @!p0 [sflag:s0], s1  }
0x64: {  	s1 =	ssub.s32 @!p0 $0x0, s1;
	[sflag:s0] =	ssyncset.done @!p0 $0x0  }
0x65: {  	[sflag:s0] =	ssyncadd.s32 @!p0 s1  }
0x66: {  	[bflag:$0x3] =	sbarrier.arrive $0xFFFF  }
0x67: {  	_ =	shalt  }

// kernel: gather_offload_async_start
scs
__scs_entry_jumppad:
0x0: {  	(pc) =	sbr.rel $0x88, $3  }
0x1: {  	(tag) =	ssettag $0x0;
	lr =	simm.s32 $0x1  }
0x2: {  	[smem:$0x3F9E] =	sst lr;
	_ =	strace $0xD0000000  }
0x3: {  	_ = 	snop  }
0x4: {  	_ = 	snop  }
0x5: {  	_ = 	snop  }
0x6: {  	_ = 	snop  }
0x7: {  	_ = 	snop  }
__scs_overlays_trampoline_lowered:
0x8: {  	[smem:$0x3FAD] =	sst s0  }
0x9: {  	[smem:$0x3FAE] =	sst s1  }
0xa: {  	[smem:$0x3FAF] =	sst s2  }
0xb: {  	[smem:$0x3FB0] =	sst s3  }
0xc: {  	[smem:$0x3FB1] =	sst s4  }
0xd: {  	[smem:$0x3FB2] =	sst s5  }
0xe: {  	[smem:$0x3FB3] =	sst s6  }
0xf: {  	[smem:$0x3FB4] =	sst s7  }
0x10: {  	[smem:$0x3FB5] =	sst s8  }
0x11: {  	[smem:$0x3FB6] =	sst s9;
	s0 =	simm.s32 @!p0 $0x0  }
0x12: {  	s1 =	sld [smem:$0x3F9C];
	s0 =	simm.s32 @p0 $0x1  }
0x13: {  	[smem:$0x3FB7] =	sst s0;
	s0 =	simm.s32 @!p1 $0x0  }
0x14: {  	s2 =	sld [smem:$0x3F9B];
	s0 =	simm.s32 @p1 $0x1  }
0x15: {  	[smem:$0x3FB8] =	sst s0;
	s0 =	simm.s32 @!p2 $0x0  }
0x16: {  	s3 =	sld [smem:$0x3FDB];
	s0 =	simm.s32 @p2 $0x1  }
0x17: {  	s4 =	simm.s32 $0x1BF5;
	[smem:$0x3FBA] =	sst s0  }
0x18: {  	s0 =	sld [smem:$0x3F9D];
	_ =	swait.ge [sflag:s4], $0x0  }
0x19: {  	s7 =	sld [smem:$0x3F9E]  }
0x1a: {  	s8 =	sadd.s32 $0xFFFFE003, lr  }
0x1b: {  	s9 =	sadd.s32 $0xFFFFFEF7, lr;
	s5 =	simm.s32 $0xFFFFFFFF;
	p2 =	slt.u32 s8, $0xFFFFF086  }
0x1c: {  	p1 =	slt.u32 s9, $0xF7A;
	s5 =	simm.s32 @!p2 $0x0  }
0x1d: {  	s5 =	simm.s32 @p1 $0x1;
	p0 =	seq.s32 s7, s2  }
0x1e: {  	s7 =	smul.u32 @!p0 $0xF7A, s2;
	p2 =	seq.s32 @!p0 s5, $0x0  }
0x1f: {  	s9 =	smul.u32 $0xF7A, s1;
	s8 =	simm.s32 @!p0 $0x1BF5;
	p2 =	por !p2, p0  }
0x20: {  	[sflag:s8] =	ssyncset.s32 @!p0 $0xFFFFF086;
	s6 =	sadd.s32 @!p0 s3, s7;
	s7 =	simm.s32 @!p0 $0x108  }
0x21: {  	s3 =	sadd.s32 s3, s9;
	s6 =	sadd.s32 @!p0 $0x88, s6;
	s7 =	simm.s32 @p2 $0x1082  }
0x22: {  	[simem:s7], [sflag:s8] =	dma.local @!p0 [hbm:s6], $0xF7A  }
0x23: {  	s9 =	sor.u32 $0xD0000000, s2;
	s6 =	simm.s32 $0x108;
	_ =	swait.ge @!p0 [sflag:s8], $0x0  }
0x24: {  	s3 =	sadd.s32 $0x88, s3;
	s6 =	simm.s32 @!p1 $0x1082;
	[sflag:s4] =	ssyncset.s32 $0xFFFFF086  }
0x25: {  	[simem:s6], [sflag:s4] =	dma.local [hbm:s3], $0xF7A  }
0x26: {  	[smem:$0x3F9E] =	sst s1;
	(tag) =	ssettag s2;
	_ =	strace s9  }
0x27: {  	s1 =	sld [smem:$0x3FAE]  }
0x28: {  	s2 =	sld [smem:$0x3FAF]  }
0x29: {  	s4 =	sld [smem:$0x3FB1]  }
0x2a: {  	p0 =	seq.s32 s5, $0x0;
	s5 =	sld [smem:$0x3FB2]  }
0x2b: {  	s6 =	sld [smem:$0x3FB3]  }
0x2c: {  	s7 =	sld [smem:$0x3FB4]  }
0x2d: {  	s3 =	simm.s32 $0x108;
	s8 =	sld [smem:$0x3FB5]  }
0x2e: {  	s3 =	simm.s32 @!p0 $0x1082;
	s9 =	sld [smem:$0x3FB6]  }
0x2f: {  	lr =	sadd.s32 s0, s3;
	s0 =	sld [smem:$0x3FAD]  }
0x30: {  	s3 =	sld [smem:$0x3FB0]  }
0x31: {  	[smem:$0x3FB9] =	sst s10  }
0x32: {  	s10 =	sld [smem:$0x3FB7];
	_ =	sdelay $0x3  }
0x33: {  	p0 =	seq.s32 s10, $0x1;
	s10 =	sld [smem:$0x3FB9];
	_ =	sdelay $0x3  }
0x34: {  	[smem:$0x3FB9] =	sst s10  }
0x35: {  	s10 =	sld [smem:$0x3FB8];
	_ =	sdelay $0x3  }
0x36: {  	p1 =	seq.s32 s10, $0x1;
	s10 =	sld [smem:$0x3FB9];
	_ =	sdelay $0x3  }
0x37: {  	[smem:$0x3FB9] =	sst s10  }
0x38: {  	s10 =	sld [smem:$0x3FBA]  }
0x39: {  	_ = 	snop;
	(pc) =	sbr.ind lr, $3  }
0x3a: {  	_ = 	snop  }
0x3b: {  	_ = 	snop  }
0x3c: {  	p2 =	seq.s32 s10, $0x1;
	s10 =	sld [smem:$0x3FB9]  }
0x3d: {  	_ =	shalt  }
0x3e: {  	_ =	shalt  }
0x3f: {  	_ =	shalt  }
0x40: {  	_ =	shalt  }
0x41: {  	_ =	shalt  }
0x42: {  	_ =	shalt  }
0x43: {  	_ =	shalt  }
0x44: {  	_ =	shalt  }
0x45: {  	_ =	shalt  }
0x46: {  	_ =	shalt  }
0x47: {  	_ =	shalt  }
0x48: {  	_ =	shalt  }
0x49: {  	_ =	shalt  }
0x4a: {  	_ =	shalt  }
0x4b: {  	_ =	shalt  }
0x4c: {  	_ =	shalt  }
0x4d: {  	_ =	shalt  }
0x4e: {  	_ =	shalt  }
0x4f: {  	_ =	shalt  }
0x50: {  	_ =	shalt  }
0x51: {  	_ =	shalt  }
0x52: {  	_ =	shalt  }
0x53: {  	_ =	shalt  }
0x54: {  	_ =	shalt  }
0x55: {  	_ =	shalt  }
0x56: {  	_ =	shalt  }
0x57: {  	_ =	shalt  }
0x58: {  	_ =	shalt  }
0x59: {  	_ =	shalt  }
0x5a: {  	_ =	shalt  }
0x5b: {  	_ =	shalt  }
0x5c: {  	_ =	shalt  }
0x5d: {  	_ =	shalt  }
0x5e: {  	_ =	shalt  }
0x5f: {  	_ =	shalt  }
0x60: {  	_ =	shalt  }
0x61: {  	_ =	shalt  }
0x62: {  	_ =	shalt  }
0x63: {  	_ =	shalt  }
0x64: {  	_ =	shalt  }
0x65: {  	_ =	shalt  }
0x66: {  	_ =	shalt  }
0x67: {  	_ =	shalt  }
0x68: {  	_ =	shalt  }
0x69: {  	_ =	shalt  }
0x6a: {  	_ =	shalt  }
0x6b: {  	_ =	shalt  }
0x6c: {  	_ =	shalt  }
0x6d: {  	_ =	shalt  }
0x6e: {  	_ =	shalt  }
0x6f: {  	_ =	shalt  }
0x70: {  	_ =	shalt  }
0x71: {  	_ =	shalt  }
0x72: {  	_ =	shalt  }
0x73: {  	_ =	shalt  }
0x74: {  	_ =	shalt  }
0x75: {  	_ =	shalt  }
0x76: {  	_ =	shalt  }
0x77: {  	_ =	shalt  }
0x78: {  	_ =	shalt  }
0x79: {  	_ =	shalt  }
0x7a: {  	_ =	shalt  }
0x7b: {  	_ =	shalt  }
0x7c: {  	_ =	shalt  }
0x7d: {  	_ =	shalt  }
0x7e: {  	_ =	shalt  }
0x7f: {  	_ =	shalt  }
0x80: {  	_ =	shalt  }
0x81: {  	_ =	shalt  }
0x82: {  	_ =	shalt  }
0x83: {  	_ =	shalt  }
0x84: {  	_ =	shalt  }
0x85: {  	_ =	shalt  }
0x86: {  	_ =	shalt  }
0x87: {  	_ =	shalt  }
.Lfunc_end0:
.L_simem_size_0:
called_computation_lowered:
.L_overlay_start_0:
0x88: {  	s2 =	sld [smem:$0x3FD9]  }
0x89: {  	s3 =	sld [smem:$0x3FFE];
	_ =	sdelay $0x1  }
0x8a: {  	s1 =	srdreg.scid  }
0x8b: {  	s0 =	sand.u32 $0x1, s1  }
0x8c: {  	s17 =	sshll.u32 s0, $0xA;
	s2 =	sadd.s32 s3, s2  }
0x8d: {  	s2 =	sadd.s32 s2, s17  }
0x8e: {  	[smem:$0x3FC5] =	sst s2  }
0x8f: {  	_ = 	snop  }
0x90: {  	(tm) =	ssettm $0x1  }
0x91: {  	s18 =	sld [smem:$0x3FFB];
	_ =	sdelay $0x3  }
0x92: {  	_ =	strace s18  }
0x93: {  	s2 =	sld [smem:$0x3FFC];
	_ =	sdelay $0x3  }
0x94: {  	_ =	strace s2  }
0x95: {  	s2 =	sld [smem:$0x3FFD];
	_ =	sdelay $0x3  }
0x96: {  	_ =	strace s2  }
0x97: {  	_ =	strace $0x8FFFFFFF  }
0x98: {  	s19 =	sld [smem:$0x3FDB];
	_ =	sdelay $0x1  }
0x99: {  	s20 =	simm.s32 $_scs_section_size  }
0x9a: {  	s4 =	simm.s32 $_size__tile_overlayer_lowered;
	s5 =	simm.s32 $_tile_overlayer_lowered  }
0x9b: {  	s6 =	simm.s32 $0x1BFF;
	s21 =	sshll.u32 s5, $0x1;
	s3 =	sadd.s32 s20, s19  }
0x9c: {  	s22 =	simm.s32 $0x0;
	s4 =	sshll.u32 s4, $0x1;
	s5 =	sadd.s32 s21, s3  }
0x9d: {  	[timem:s22], [sflag:s6] =	dma.local [hbm:s5], s4  }
0x9e: {  	_ =	swait.ge [sflag:s6], s4  }
0x9f: {  	s4 =	ssub.s32 $0x0, s4;
	[sflag:s6] =	ssyncset.done $0x0  }
0xa0: {  	[sflag:s6] =	ssyncadd.s32 s4;
	_ =	sdelay $0x1  }
0xa1: {  	s23 =	simm.s32 $0x1B8B  }
0xa2: {  	_ =	swait.ge [sflag:s23], $0x1  }
0xa3: {  	[sflag:s23] =	ssyncset.done $0x0  }
0xa4: {  	[sflag:s23] =	ssyncadd.s32 $0xFFFFFFFF  }
0xa5: {  	s4 =	sld [smem:$0x0]  }
0xa6: {  	s5 =	sand.u32 $0xFFFFFFFE, s1  }
0xa7: {  	p0 =	sne.s32 s1, s5  }
0xa8: {  	s5 =	sshll.u32 @p0 s5, $0xE  }
0xa9: {  	s5 =	sadd.s32 @p0 $0x11B8D, s5;
	s6 =	sshll.u32 @p0 s4, $0x11  }
0xaa: {  	s5 =	sor.u32 @p0 s6, s5  }
0xab: {  	[sflag:s5] =	ssyncadd.remote.s32 @p0 $0x1;
	_ =	sdelay $0x1  }
0xac: {  	s5 =	simm.s32 @p0 $0x1B8D  }
0xad: {  	_ =	swait.eq @p0 [sflag:s5], $0x1  }
0xae: {  	[sflag:s5] =	ssyncadd.s32 @p0 $0xFFFFFFFF  }
0xaf: {  	s6 =	sshll.u32 @!p0 s1, $0xE  }
0xb0: {  	s6 =	sor.u32 @!p0 $0x4000, s6;
	s5 =	simm.s32 @!p0 $0x1B8D  }
0xb1: {  	s4 =	sshll.u32 @!p0 s4, $0x11;
	s6 =	sadd.s32 @!p0 $0x11B8D, s6;
	_ =	swait.eq @!p0 [sflag:s5], $0x1  }
0xb2: {  	s4 =	sor.u32 @!p0 s4, s6;
	[sflag:s5] =	ssyncadd.s32 @!p0 $0xFFFFFFFF  }
0xb3: {  	s25 =	simm.s32 $0x1B8E;
	s24 =	sld [smem:$0x3FFE];
	[sflag:s4] =	ssyncadd.remote.s32 @!p0 $0x1  }
0xb4: {  	s26 =	simm.s32 $execute0_lowered;
	[smem:$0x3FD2] =	sst s25  }
0xb5: {  	s5 =	sshll.u32 s26, $0x1;
	_ =	strace $0x80000049;
	[dreg:$0x1] =	wrdreg $0xFFFFFFFF  }
0xb6: {  	s28 =	simm.s32 $_size_execute0_lowered;
	s3 =	sadd.s32 s3, s5;
	[dreg:$0x0] =	wrdreg $0x0  }
0xb7: {  	s5 =	sshll.u32 s28, $0x1;
	[dreg:$0x2] =	wrdreg s3  }
0xb8: {  	[dreg:$0x3] =	wrdreg s5  }
0xb9: {  	[dreg:$0x4] =	wrdreg $0xC0  }
0xba: {  	_ =	task [dreg:s22], $0x5FFFF  }
0xbb: {  	[dreg:$0x1] =	wrdreg $0xFFFFFFFF  }
0xbc: {  	[dreg:$0x0] =	wrdreg $0x60  }
0xbd: {  	[dreg:$0x2] =	wrdreg s24  }
0xbe: {  	[dreg:$0x3] =	wrdreg $0x9  }
0xbf: {  	_ =	task.clear_ibuf [dreg:s22], $0x4FFFF;
	_ =	strace $0x90000049  }
0xc0: {  	s29 =	simm.s32 $0x9;
	_ =	strace $0x8000004B  }
0xc1: {  	_ =	swait.ge [sflag:s29], $0x1  }
0xc2: {  	[sflag:s29] =	ssyncadd.s32 $0xFFFFFFFF  }
0xc3: {  	_ =	strace $0x9000004B  }
0xc4: {  	_ =	sfence  }
0xc5: {  	s30 =	sld [smem:$0x0];
	_ =	sdelay $0x2  }
0xc6: {  	s31 =	sshll.u32 s1, $0xD;
	s1 =	sshrl.u32 s1, $0x2  }
0xc7: {  	s4 =	sand.u32 $0x4000, s31;
	s1 =	sadd.s32 s1, s30  }
0xc8: {  	s0 =	sor.u32 s4, s0;
	s1 =	sshll.u32 s1, $0x11  }
0xc9: {  	s0 =	sor.u32 s1, s0  }
0xca: {  	s0 =	sadd.s32 $0x8F2B, s0  }
0xcb: {  	[sflag:s0] =	ssyncadd.remote.s32 $0x1  }
0xcc: {  	_ =	sfence.sel $0xFFFF  }
0xcd: {  	[dreg:$0x0] =	wrdreg $0xFFFFFFFF;
	(pc) =	sbr.abs _section_cstart, $3  }
0xce: {  	[dreg:$0x1] =	wrdreg $0xFFFFFFFF  }
0xcf: {  	_ =	task.clear_ibuf [dreg:s22], $0x2FFFF;
	_ =	strace $0x9FFFFFFF  }
0xd0: {  	(tm) =	ssettm $0x7FFFFFFF  }
0xd1: {  	_ =	shalt  }
tec
execute0_lowered:
.L_overlay_start_1:
0x0: {  	(tag) =	ssettag $0x1  }
0x1: {  	s2 =	rddreg [dreg:$0x0]  }
0x2: {  	s0 =	rddreg [dreg:$0x1]  }
0x3: {  	s1 =	srdreg.scid;
	_ =	strace $0x8000004A;
	s4 =	simm.s32 $0x1  }
0x4: {  	s9 =	simm.s32 $0x3;
	s12 =	simm.s32 $0x0;
	s5 =	sshll.u32 s1, $0x4  }
.Ltmp0:
0x5: {  	s1 =	stileid.u32;
	s5 =	sand.u32 $0x10, s5;
	(pc) =	sbr.rel .LBB2_1-.Ltmp0, $4  }
0x6: {  	s10 =	simm.s32 $0x0;
	s3 =	sadd.s32 $0x120400, s2;
	s6 =	sor.u32 s1, s5  }
0x7: {  	[sflag:s4] =	ssyncpa.u1 $0x0;
	s5 =	simm.s32 $0x2;
	s6 =	sshll.u32 s6, $0x6  }
0x8: {  	s7 =	sadd.s32 $0x128800, s2;
	[sflag:s5] =	ssyncpa.u1 $0x0;
	s8 =	sadd.s32 $0x40, s6  }
0x9: {  	vm0 =	vmmov $0xff;
	vm1 =	vcmask $0x3F20;
	[sflag:s9] =	ssyncpa.u1 $0x0;
	s9 =	simm.s32 $0x40;
	s11 =	smov.u32 s6  }
.LBB2_9:
0xa: {  	p0 =	seq.s32 s10, $0x2  }
.Ltmp1:
0xb: {  	_ = 	snop;
	(pc) =	sbr.rel @p0 .LBB2_11-.Ltmp1, $1  }
0xc: {  	_ =	sdelay $0x3  }
.LBB2_10:
0xd: {  	s12 =	sadd.s32 $0x40, s11  }
0xe: {  	s13 =	smov.u32 s6;
	p0 =	slt.s32 s12, s8  }
0xf: {  	s13 =	smov.u32 @p0 s12  }
0x10: {  	s10 =	sadd.s32 $0x1, s10;
	s12 =	smov.u32 s11;
	s11 =	smov.u32 s13  }
.LBB2_1:
0x11: {  	p0 =	sne.s32 s10, $0x0  }
.Ltmp2:
0x12: {  	_ = 	snop;
	(pc) =	sbr.rel @!p0 .LBB2_2-.Ltmp2, $1  }
0x13: {  	_ =	sdelay $0x3  }
0x14: {  	s13 =	sand.u32 $0x1, s10  }
0x15: {  	p0 =	seq.s32 s13, $0x0  }
.Ltmp3:
0x16: {  	_ = 	snop;
	(pc) =	sbr.rel @p0 .LBB2_9-.Ltmp3, $1  }
0x17: {  	_ =	sdelay $0x3  }
0x18: {  	_ =	swait.ge [sflag:s5], $0x40  }
0x19: {  	[sflag:s5] =	ssyncset.done $0x0  }
0x1a: {  	s13 =	simm.s32 $0x0;
	[sflag:s5] =	ssyncadd.s32 $0xFFFFFFC0  }
0x1b: {  	v0 =	vld.msk [tilespmem:s13+$0x40 ss:$0x1], $0xffff;
	_ =	sdelay $0x4  }
0x1c: {  	v1 =	vshll.u32 v0, $0x3  }
0x1d: {  	vm2 =	veq.s32 v0, $0x80000000;
	v0 =	vshll.u32 v0, $0x10;
	v1 =	vand.u32 $0xFF80, v1  }
0x1e: {  	v0 =	vand.u32 $0xF0000, v0;
	v1 =	vsel vm2, $0xFFFFFF80, v1  }
0x1f: {  	v0 =	vsel vm2, $0xFFFF0000, v0;
	v2 =	vand.u32 $0xFFFFFC00, v1  }
0x20: {  	v1 =	vand.u32 $0x380, v1;
	v0 =	vadd.s32 v0, v2  }
0x21: {  	v0 =	vor.u32 v1, v0  }
0x22: {  	v0 =	vshrl.u32 v0, $0x3;
	_ =	sdelay $0x3  }
0x23: {  	s13 =	simm.s32 $0x2080  }
0x24: {  	[tilespmem:s13], [sflag:$0x1] =	stream.indirect_vreg.gather [hbm:s2], $0x80, v0, vm0, $0x38;
	[tilespmem:$0x4080] =	vst v63  }
0x25: {  	s14 =	simm.s32 $0x2480;
	s31 =	simm.s32 $0x10  }
0x26: {  	[tilespmem:s14], [sflag:$0x1] =	stream.indirect_vreg.gather [hbm:s2], $0x80, v0, vm1, $0x38;
	[tilespmem:$0x4080] =	vst v63  }
0x27: {  	s14 =	simm.s32 $0x80;
	v0 =	vld.msk [tilespmem:s31+$0x40 ss:$0x1], $0xffff  }
.LBB2_5:
0x28: {  	p0 =	sne.s32 s14, $0xC0;
	_ =	sdelay $0x4  }
0x29: {  	v1 =	vshll.u32 v0, $0x3  }
0x2a: {  	vm2 =	veq.s32 v0, $0x80000000;
	v0 =	vshll.u32 v0, $0x10;
	v1 =	vand.u32 $0xFF80, v1  }
0x2b: {  	v0 =	vand.u32 $0xF0000, v0;
	v1 =	vsel vm2, $0xFFFFFF80, v1  }
0x2c: {  	v0 =	vsel vm2, $0xFFFF0000, v0;
	v2 =	vand.u32 $0xFFFFFC00, v1  }
0x2d: {  	v1 =	vand.u32 $0x380, v1;
	v0 =	vadd.s32 v0, v2  }
0x2e: {  	v0 =	vor.u32 v1, v0  }
0x2f: {  	v0 =	vshrl.u32 v0, $0x3;
	_ =	sdelay $0x3  }
.Ltmp4:
0x30: {  	s13 =	sadd.s32 $0x800, s13;
	(pc) =	sbr.rel @p0 .LBB2_5-.Ltmp4, $4  }
0x31: {  	[tilespmem:s13], [sflag:$0x1] =	stream.indirect_vreg.gather [hbm:s2], $0x80, v0, vm0, $0x38;
	[tilespmem:$0x4080] =	vst v63  }
0x32: {  	s15 =	sshra.s32 s14, $0x2;
	s16 =	sadd.s32 $0x400, s13  }
0x33: {  	[tilespmem:s16], [sflag:$0x1] =	stream.indirect_vreg.gather [hbm:s2], $0x80, v0, vm1, $0x38;
	[tilespmem:$0x4080] =	vst v63  }
0x34: {  	s14 =	sadd.s32 $0x40, s14;
	v0 =	vld.msk [tilespmem:s15+$0x40 ss:$0x1], $0xffff  }
0x35: {  	_ =	sdelay $0x3  }
0x36: {  	v1 =	vshll.u32 v0, $0x3  }
0x37: {  	vm2 =	veq.s32 v0, $0x80000000;
	v63 =	vshll.u32 v0, $0x10;
	v1 =	vand.u32 $0xFF80, v1  }
0x38: {  	v0 =	vand.u32 $0xF0000, v63;
	v1 =	vsel vm2, $0xFFFFFF80, v1  }
0x39: {  	v0 =	vsel vm2, $0xFFFF0000, v0;
	v2 =	vand.u32 $0xFFFFFC00, v1  }
0x3a: {  	v1 =	vand.u32 $0x380, v1;
	v0 =	vadd.s32 v0, v2  }
0x3b: {  	v0 =	vor.u32 v1, v0  }
0x3c: {  	v0 =	vshrl.u32 v0, $0x3;
	_ =	sdelay $0x3  }
0x3d: {  	s13 =	sadd.s32 $0x800, s13  }
0x3e: {  	[tilespmem:s13], [sflag:$0x1] =	stream.indirect_vreg.gather [hbm:s2], $0x80, v0, vm0, $0x38;
	[tilespmem:$0x4080] =	vst v63  }
0x3f: {  	s13 =	sadd.s32 $0x400, s13  }
0x40: {  	[tilespmem:s13], [sflag:$0x1] =	stream.indirect_vreg.gather [hbm:s2], $0x80, v0, vm1, $0x38;
	[tilespmem:$0x4080] =	vst v63  }
0x41: {  	s12 =	sshll.u32 s12, $0x4;
	s14 =	simm.s32 $0x80;
	_ =	swait.ge [sflag:s4], $0x2000  }
0x42: {  	s15 =	simm.s32 $0x2480;
	s12 =	sadd.s32 s12, s7;
	[sflag:s4] =	ssyncset.done $0x0  }
0x43: {  	s16 =	sadd.s32 $0x0, s12;
	s13 =	simm.s32 $0x2080;
	[sflag:s4] =	ssyncadd.s32 $0xFFFFE000  }
.LBB2_7:
0x44: {  	[hbm:s16] =	stream.linear.scatter [tilespmem:s13], [sflag:$0x3], $0x400, $0x38;
	[tilespmem:$0x4080] =	vst v63  }
0x45: {  	s16 =	smov.u32 s14;
	s13 =	smov.u32 s15;
	p0 =	sne.s32 s14, $0x380  }
.Ltmp5:
0x46: {  	s14 =	sadd.s32 $0x80, s14;
	(pc) =	sbr.rel @p0 .LBB2_7-.Ltmp5, $2  }
0x47: {  	_ =	sdelay $0x2  }
0x48: {  	s15 =	sadd.s32 $0x400, s15;
	s16 =	sadd.s32 s16, s12  }
.Ltmp6:
0x49: {  	(pc) =	sbr.rel .LBB2_9-.Ltmp6, $2  }
0x4a: {  	_ =	sdelay $0x2  }
0x4b: {  	[hbm:s16] =	stream.linear.scatter [tilespmem:s13], [sflag:$0x3], $0x400, $0x38;
	[tilespmem:$0x4080] =	vst v63  }
.LBB2_2:
.Ltmp7:
0x4c: {  	(pc) =	sbr.rel .LBB2_10-.Ltmp7, $4  }
0x4d: {  	_ = 	snop  }
0x4e: {  	s12 =	sshrl.u32 s11, $0x3  }
0x4f: {  	s13 =	sand.u32 $0x7, s11;
	s12 =	sadd.s32 s3, s12  }
0x50: {  	[tilespmem:s9], [sflag:$0x2] =	stream.linear.gather [hbm4b:s12+s13], $0x40, $0x38;
	[tilespmem:$0x4080] =	vst v63  }
.LBB2_11:
0x51: {  	s2 =	simm.s32 $0x3  }
0x52: {  	_ =	swait.ge [sflag:s2], $0x2000  }
0x53: {  	[sflag:s2] =	ssyncset.done $0x0  }
0x54: {  	[sflag:s2] =	ssyncadd.s32 $0xFFFFE000  }
0x55: {  	_ =	sfence.sel $0x180000  }
0x56: {  	s3 =	simm.s32 $0x2;
	[bflag:$0x0] =	sbarrier.arrive $0xFFFF  }
0x57: {  	[sflag:s3] =	ssyncpa.u1 $0x1  }
0x58: {  	s31 =	simm.s32 $0x1;
	[sflag:s2] =	ssyncpa.u1 $0x1  }
0x59: {  	[sflag:s31] =	ssyncpa.u1 $0x1  }
0x5a: {  	p0 =	sne.s32 s1, $0x0;
	_ =	strace $0x9000004A  }
0x5b: {  	s0 =	sadd.s32 @!p0 $0x100000, s0;
	[bflag:$0x2] =	sbarrier.arrive $0xFFFF  }
0x5c: {  	[sflag:s0] =	ssyncadd.tile.s32 @!p0 $0x1;
	_ =	shalt  }
.Lfunc_end2:
_tile_overlayer_lowered:
.L_overlay_start_2:
0x5d: {  	(tag) =	ssettag $0x2  }
0x5e: {  	s0 =	rddreg [dreg:$0x0];
	s2 =	stileid.u32  }
0x5f: {  	s1 =	rddreg [dreg:$0x1];
	p0 =	sne.s32 s2, $0x0  }
0x60: {  	s3 =	rddreg [dreg:$0x2];
	[bflag:$0x3] =	sbarrier.arrive $0xFFFF;
	s2 =	simm.s32 @!p0 $0x1C01  }
0x61: {  	[timem:s3], [sflag:s2] =	dma.local @!p0 [hbm:s0], s1  }
0x62: {  	s0 =	simm.s32 @!p0 $0x1  }
0x63: {  	_ =	swait.ge @!p0 [sflag:s0], s1  }
0x64: {  	s1 =	ssub.s32 @!p0 $0x0, s1;
	[sflag:s0] =	ssyncset.done @!p0 $0x0  }
0x65: {  	[sflag:s0] =	ssyncadd.s32 @!p0 s1  }
0x66: {  	[bflag:$0x3] =	sbarrier.arrive $0xFFFF  }
0x67: {  	_ =	shalt  }

</sc_bundles>
